<compile_context>
chip_gen: v7x
topology: tpu7x:2x2x1
jax: 0.10.2.dev20260603
libtpu: 0.0.44.dev20260713+nightly
codegen_flags: <defaults>
</compile_context>

<pallas_src>
import functools

import jax
import jax.numpy as jnp
import numpy as np
from jax.experimental import pallas as pl
from jax.experimental.pallas import tpu as pltpu

_K = 16
_N = 10000
_D = 128
_NPAD = 10240
_ROWS = 128


def _knn_body(sqc_ref, x_ref, xt_ref, nbr_ref):
    xb = x_ref[...]
    dot = jax.lax.dot_general(
        xb, xt_ref[...], (((1,), (0,)), ((), ())),
        preferred_element_type=jnp.float32)
    sq_r = jnp.sum(xb * xb, axis=1, keepdims=True)
    d = sq_r - 2.0 * dot + sqc_ref[...]
    i = pl.program_id(0)
    rows = jax.lax.broadcasted_iota(jnp.int32, d.shape, 0) + i * _ROWS
    cols = jax.lax.broadcasted_iota(jnp.int32, d.shape, 1)
    inf = jnp.float32(jnp.inf)
    d = jnp.where(cols == rows, inf, d)
    big = jnp.int32(2**30)
    idxs = []
    for _ in range(_K):
        m = jnp.min(d, axis=1, keepdims=True)
        idx = jnp.min(jnp.where(d == m, cols, big), axis=1, keepdims=True)
        idxs.append(idx)
        d = jnp.where(cols == idx, inf, d)
    nbr_ref[...] = jnp.concatenate(idxs, axis=1)


def _knn(x, sq):
    sqc = jnp.concatenate(
        [sq, jnp.full((_NPAD - _N,), jnp.inf, jnp.float32)])[None, :]
    xt = jnp.pad(x.T, ((0, 0), (0, _NPAD - _N)))
    grid = (pl.cdiv(_N, _ROWS),)
    return pl.pallas_call(
        _knn_body,
        grid=grid,
        in_specs=[
            pl.BlockSpec((1, _NPAD), lambda i: (0, 0)),
            pl.BlockSpec((_ROWS, _D), lambda i: (i, 0)),
            pl.BlockSpec((_D, _NPAD), lambda i: (0, 0)),
        ],
        out_specs=pl.BlockSpec((_ROWS, _K), lambda i: (i, 0)),
        out_shape=jax.ShapeDtypeStruct((_N, _K), jnp.int32),
    )(sqc, x, xt)


_NB = 256


def _tables_body(x_ref, wd_ref, wb_ref, b1_ref, c_ref, b_ref):
    xb = x_ref[...]
    c_ref[...] = jax.lax.dot_general(
        xb, wd_ref[...], (((1,), (0,)), ((), ())),
        preferred_element_type=jnp.float32) + b1_ref[...]
    b_ref[...] = jax.lax.dot_general(
        xb, wb_ref[...], (((1,), (0,)), ((), ())),
        preferred_element_type=jnp.float32)


def _tables(x, W1, b1):
    wdiff = W1[:_D] - W1[_D:]
    wb = W1[_D:]
    rb = 1024
    return pl.pallas_call(
        _tables_body,
        grid=(pl.cdiv(_N, rb),),
        in_specs=[
            pl.BlockSpec((rb, _D), lambda i: (i, 0)),
            pl.BlockSpec((_D, _D), lambda i: (0, 0)),
            pl.BlockSpec((_D, _D), lambda i: (0, 0)),
            pl.BlockSpec((1, _D), lambda i: (0, 0)),
        ],
        out_specs=[
            pl.BlockSpec((rb, _D), lambda i: (i, 0)),
            pl.BlockSpec((rb, _D), lambda i: (i, 0)),
        ],
        out_shape=[
            jax.ShapeDtypeStruct((_N, _D), jnp.float32),
            jax.ShapeDtypeStruct((_N, _D), jnp.float32),
        ],
    )(x, wdiff, wb, b1[None, :])


def _edge_mlp_body(c_ref, b_ref, gc_ref, gb_ref, w2_ref, fwd_ref, rev_ref):
    cb = c_ref[...]
    bb = b_ref[...]
    w2 = w2_ref[...]
    pres = []
    for t in range(_K):
        pres.append(cb + gb_ref[t])
    for t in range(_K):
        pres.append(gc_ref[t] + bb)
    h = jax.lax.dot_general(
        jnp.maximum(jnp.concatenate(pres, axis=0), 0.0), w2,
        (((1,), (0,)), ((), ())), preferred_element_type=jnp.float32)
    acc = h[0:_NB]
    for t in range(1, _K):
        acc = jnp.maximum(acc, h[t * _NB:(t + 1) * _NB])
    fwd_ref[...] = acc
    for t in range(_K):
        rev_ref[t] = h[(_K + t) * _NB:(_K + t + 1) * _NB]


def _edge_mlp(C, B, GC, GB, W2):
    return pl.pallas_call(
        _edge_mlp_body,
        grid=(pl.cdiv(_N, _NB),),
        in_specs=[
            pl.BlockSpec((_NB, _D), lambda i: (i, 0)),
            pl.BlockSpec((_NB, _D), lambda i: (i, 0)),
            pl.BlockSpec((_K, _NB, _D), lambda i: (0, i, 0)),
            pl.BlockSpec((_K, _NB, _D), lambda i: (0, i, 0)),
            pl.BlockSpec((_D, _D), lambda i: (0, 0)),
        ],
        out_specs=[
            pl.BlockSpec((_NB, _D), lambda i: (i, 0)),
            pl.BlockSpec((_K, _NB, _D), lambda i: (0, i, 0)),
        ],
        out_shape=[
            jax.ShapeDtypeStruct((_N, _D), jnp.float32),
            jax.ShapeDtypeStruct((_K, _N, _D), jnp.float32),
        ],
    )(C, B, GC, GB, W2)


def _bn_body(o_ref, g_ref, be_ref, b2_ref, out_ref):
    o = o_ref[...] + b2_ref[...]
    mu = jnp.mean(o, axis=0, keepdims=True)
    var = jnp.mean((o - mu) * (o - mu), axis=0, keepdims=True)
    out_ref[...] = (o - mu) * jax.lax.rsqrt(var + 1e-5) * g_ref[...] + be_ref[...]


def _batchnorm(o, gamma, beta, b2):
    return pl.pallas_call(
        _bn_body,
        in_specs=[
            pl.BlockSpec((_N, _D), lambda: (0, 0)),
            pl.BlockSpec((1, _D), lambda: (0, 0)),
            pl.BlockSpec((1, _D), lambda: (0, 0)),
            pl.BlockSpec((1, _D), lambda: (0, 0)),
        ],
        out_specs=pl.BlockSpec((_N, _D), lambda: (0, 0)),
        out_shape=jax.ShapeDtypeStruct((_N, _D), jnp.float32),
    )(o, gamma[None, :], beta[None, :], b2[None, :])


def kernel(x, edge_index, edge_attr, W1, b1, W2, b2, gamma, beta):
    sq = jnp.sum(x * x, axis=1)
    nbr = _knn(x, sq)
    dst = jnp.repeat(jnp.arange(_N), _K)
    src = nbr.reshape(-1)
    src_u = jnp.concatenate([src, dst])
    dst_u = jnp.concatenate([dst, src])
    ei = jnp.stack([src_u, dst_u])

    C, B = _tables(x, W1, b1)
    nbr_t = nbr.T
    GC = C[nbr_t]
    GB = B[nbr_t]
    out_fwd, h_rev = _edge_mlp(C, B, GC, GB, W2)
    seg = jax.ops.segment_max(
        h_rev.reshape(_K * _N, _D), nbr_t.reshape(-1), num_segments=_N)
    o = jnp.maximum(out_fwd, seg)
    out = _batchnorm(o, gamma, beta, b2)
    return (out, ei, edge_attr)

# --- scband reference (transcript-rebuilt; emitter-appended) ---
"""Pipeline reference for scband-my-nnconv-2327872274896 (READ-ONLY COPY).

The authoritative reference and input builder live on the scoring server;
editing this copy changes nothing except your own understanding.
"""

import jax, jax.numpy as jnp
import numpy as np

K_KNN = 16
N_NODES = 10000
D_FEAT = 128
OUT_C = 128
N_EDGES = 160000
D_EDGE = 16


def setup_inputs(seed: int = 0) -> dict:
    key = jax.random.key(seed)
    ks = jax.random.split(key, 6)
    x = jax.random.normal(ks[0], (N_NODES, D_FEAT), dtype=jnp.float32)
    edge_index = jax.random.randint(ks[1], (2, N_EDGES), 0, N_NODES, dtype=jnp.int32)
    edge_attr = jax.random.normal(ks[2], (N_EDGES, D_EDGE), dtype=jnp.float32)
    W1 = jax.random.normal(ks[3], (2 * D_FEAT, OUT_C), dtype=jnp.float32) / np.sqrt(2 * D_FEAT)
    b1 = jnp.zeros((OUT_C,), jnp.float32)
    W2 = jax.random.normal(ks[4], (OUT_C, OUT_C), dtype=jnp.float32) / np.sqrt(OUT_C)
    b2 = jnp.zeros((OUT_C,), jnp.float32)
    gamma = jnp.ones((OUT_C,), jnp.float32)
    beta = jnp.zeros((OUT_C,), jnp.float32)
    return {"x": x, "edge_index": edge_index, "edge_attr": edge_attr, "W1": W1, "b1": b1, "W2": W2, "b2": b2, "gamma": gamma, "beta": beta}


def _knn_graph(x, k):
    # knn_graph(x, k, loop=False, cosine=False): indices carry no gradient
    xs = jax.lax.stop_gradient(x)
    n = xs.shape[0]
    sq = jnp.sum(xs * xs, axis=1)
    d2 = sq[:, None] - 2.0 * (xs @ xs.T) + sq[None, :]
    d2 = d2.at[jnp.arange(n), jnp.arange(n)].set(jnp.inf)  # loop=False
    _, nbr = jax.lax.top_k(-d2, k)  # [n, k] nearest neighbors
    dst = jnp.repeat(jnp.arange(n), k)
    src = nbr.reshape(-1)
    # to_undirected: add reversed edges (duplicate edges are harmless under max aggregation)
    src_u = jnp.concatenate([src, dst])
    dst_u = jnp.concatenate([dst, src])
    return jnp.stack([src_u, dst_u])


def reference(x, edge_index, edge_attr, W1, b1, W2, b2, gamma, beta):
    # dynamic=True (opts.knn=16 > 0): input edge_index is replaced by knn graph
    ei = _knn_graph(x, K_KNN)
    src, dst = ei[0], ei[1]
    # EdgeConv: message = mlp([x_i, x_j - x_i]), max aggregation over incoming edges
    xi = x[dst]
    xj = x[src]
    m = jnp.concatenate([xi, xj - xi], axis=1)
    h = jnp.maximum(m @ W1 + b1, 0.0) @ W2 + b2
    out = jax.ops.segment_max(h, dst, num_segments=N_NODES)
    # BatchNorm1d, training mode (biased variance), gamma=1 beta=0 learned params
    mu = jnp.mean(out, axis=0)
    var = jnp.var(out, axis=0)
    out = (out - mu) / jnp.sqrt(var + 1e-5) * gamma + beta
    return (out, ei, edge_attr)

if __name__ == "__main__":
    import jax
    _d = setup_inputs()
    print(jax.jit(kernel)(*tuple(_d.values())))

</pallas_src>

<mosaic_0001>
module attributes {stable_mosaic.version = 14 : i64} {
  func.func @_knn_body(%arg0: i32, %arg1: memref<1x10240xf32, #tpu.memory_space<vmem>>, %arg2: memref<128x128xf32, #tpu.memory_space<vmem>>, %arg3: memref<128x10240xf32, #tpu.memory_space<vmem>>, %arg4: memref<128x16xi32, #tpu.memory_space<vmem>>) attributes {dimension_semantics = [#tpu.dimension_semantics<arbitrary>], iteration_bounds = array<i64: 79>, scalar_prefetch = 0 : i64, scratch_operands = 0 : i64, tpu.core_type = #tpu.core_type<tc>, window_params = [{pipeline_mode = #tpu.pipeline_mode<synchronous>, transform_indices = @transform_0, window_bounds = array<i64: 1, 10240>}, {transform_indices = @transform_1, window_bounds = array<i64: 128, 128>}, {pipeline_mode = #tpu.pipeline_mode<synchronous>, transform_indices = @transform_2, window_bounds = array<i64: 128, 10240>}, {transform_indices = @transform_3, window_bounds = array<i64: 128, 16>}]} {
    %get3A = arith.constant 0 : index
    %get3A_0 = arith.constant 0 : index
    %get3A_1 = vector.load %arg2[%get3A, %get3A_0] : memref<128x128xf32, #tpu.memory_space<vmem>>, vector<128x128xf32>
    %get3A_2 = arith.constant 0 : index
    %get3A_3 = arith.constant 0 : index
    %get3A_4 = vector.load %arg3[%get3A_2, %get3A_3] : memref<128x10240xf32, #tpu.memory_space<vmem>>, vector<128x10240xf32>
    %dot_general3A = arith.constant dense<0.000000e+00> : vector<128x10240xf32>
    %dot_general3A_5 = tpu.matmul %get3A_1, %get3A_4, %dot_general3A {dimension_numbers = #tpu.dot_dimension_numbers<[1], [0], [0], [1], [0, 0, 1, 1], [], []>, transpose_lhs_hint = false} : vector<128x128xf32>, vector<128x10240xf32>, vector<128x10240xf32> -> vector<128x10240xf32>
    %mul3A = arith.mulf %get3A_1, %get3A_1 : vector<128x128xf32>
    %reduce_sum3A = arith.constant dense<0.000000e+00> : vector<128xf32>
    %reduce_sum3A_6 = vector.multi_reduction <add>, %mul3A, %reduce_sum3A [1] : vector<128x128xf32> to vector<128xf32>
    %broadcast_in_dim3A = vector.shape_cast %reduce_sum3A_6 : vector<128xf32> to vector<128x1xf32>
    %mul3A_7 = arith.constant 2.000000e+00 : f32
    %mul3A_8 = vector.broadcast %mul3A_7 : f32 to vector<128x10240xf32>
    %mul3A_9 = arith.mulf %mul3A_8, %dot_general3A_5 : vector<128x10240xf32>
    %sub3A = vector.broadcast %broadcast_in_dim3A : vector<128x1xf32> to vector<128x10240xf32>
    %sub3A_10 = arith.subf %sub3A, %mul3A_9 : vector<128x10240xf32>
    %get3A_11 = arith.constant 0 : index
    %get3A_12 = arith.constant 0 : index
    %get3A_13 = vector.load %arg1[%get3A_11, %get3A_12] : memref<1x10240xf32, #tpu.memory_space<vmem>>, vector<1x10240xf32>
    %add3A = vector.broadcast %get3A_13 : vector<1x10240xf32> to vector<128x10240xf32>
    %add3A_14 = arith.addf %sub3A_10, %add3A : vector<128x10240xf32>
    %iota3A = tpu.iota {dimensions = array<i32: 0>} : vector<128x10240xi32>
    %mul3A_15 = arith.constant 128 : i32
    %mul3A_16 = arith.muli %arg0, %mul3A_15 : i32
    %add3A_17 = vector.broadcast %mul3A_16 : i32 to vector<128x10240xi32>
    %add3A_18 = arith.addi %iota3A, %add3A_17 : vector<128x10240xi32>
    %iota3A_19 = tpu.iota {dimensions = array<i32: 1>} : vector<128x10240xi32>
    %eq3A = arith.cmpi eq, %iota3A_19, %add3A_18 : vector<128x10240xi32>
    %jit3A = arith.constant 0x7F800000 : f32
    %broadcast_in_dim3A_20 = vector.broadcast %jit3A : f32 to vector<128x10240xf32>
    %select_n3A = arith.select %eq3A, %broadcast_in_dim3A_20, %add3A_14 : vector<128x10240xi1>, vector<128x10240xf32>
    %reduce_min3A = arith.constant dense<0x7F800000> : vector<128xf32>
    %reduce_min3A_21 = vector.multi_reduction <minimumf>, %select_n3A, %reduce_min3A [1] : vector<128x10240xf32> to vector<128xf32>
    %broadcast_in_dim3A_22 = vector.shape_cast %reduce_min3A_21 : vector<128xf32> to vector<128x1xf32>
    %eq3A_23 = vector.broadcast %broadcast_in_dim3A_22 : vector<128x1xf32> to vector<128x10240xf32>
    %eq3A_24 = arith.cmpf oeq, %select_n3A, %eq3A_23 : vector<128x10240xf32>
    %jit3A_25 = arith.constant 1073741824 : i32
    %broadcast_in_dim3A_26 = vector.broadcast %jit3A_25 : i32 to vector<128x10240xi32>
    %select_n3A_27 = arith.select %eq3A_24, %iota3A_19, %broadcast_in_dim3A_26 : vector<128x10240xi1>, vector<128x10240xi32>
    %reduce_min3A_28 = arith.constant dense<2147483647> : vector<128xi32>
    %reduce_min3A_29 = vector.multi_reduction <minsi>, %select_n3A_27, %reduce_min3A_28 [1] : vector<128x10240xi32> to vector<128xi32>
    %broadcast_in_dim3A_30 = vector.shape_cast %reduce_min3A_29 : vector<128xi32> to vector<128x1xi32>
    %eq3A_31 = vector.broadcast %broadcast_in_dim3A_30 : vector<128x1xi32> to vector<128x10240xi32>
    %eq3A_32 = arith.cmpi eq, %iota3A_19, %eq3A_31 : vector<128x10240xi32>
    %jit3A_33 = arith.constant 0x7F800000 : f32
    %broadcast_in_dim3A_34 = vector.broadcast %jit3A_33 : f32 to vector<128x10240xf32>
    %select_n3A_35 = arith.select %eq3A_32, %broadcast_in_dim3A_34, %select_n3A : vector<128x10240xi1>, vector<128x10240xf32>
    %reduce_min3A_36 = arith.constant dense<0x7F800000> : vector<128xf32>
    %reduce_min3A_37 = vector.multi_reduction <minimumf>, %select_n3A_35, %reduce_min3A_36 [1] : vector<128x10240xf32> to vector<128xf32>
    %broadcast_in_dim3A_38 = vector.shape_cast %reduce_min3A_37 : vector<128xf32> to vector<128x1xf32>
    %eq3A_39 = vector.broadcast %broadcast_in_dim3A_38 : vector<128x1xf32> to vector<128x10240xf32>
    %eq3A_40 = arith.cmpf oeq, %select_n3A_35, %eq3A_39 : vector<128x10240xf32>
    %jit3A_41 = arith.constant 1073741824 : i32
    %broadcast_in_dim3A_42 = vector.broadcast %jit3A_41 : i32 to vector<128x10240xi32>
    %select_n3A_43 = arith.select %eq3A_40, %iota3A_19, %broadcast_in_dim3A_42 : vector<128x10240xi1>, vector<128x10240xi32>
    %reduce_min3A_44 = arith.constant dense<2147483647> : vector<128xi32>
    %reduce_min3A_45 = vector.multi_reduction <minsi>, %select_n3A_43, %reduce_min3A_44 [1] : vector<128x10240xi32> to vector<128xi32>
    %broadcast_in_dim3A_46 = vector.shape_cast %reduce_min3A_45 : vector<128xi32> to vector<128x1xi32>
    %eq3A_47 = vector.broadcast %broadcast_in_dim3A_46 : vector<128x1xi32> to vector<128x10240xi32>
    %eq3A_48 = arith.cmpi eq, %iota3A_19, %eq3A_47 : vector<128x10240xi32>
    %jit3A_49 = arith.constant 0x7F800000 : f32
    %broadcast_in_dim3A_50 = vector.broadcast %jit3A_49 : f32 to vector<128x10240xf32>
    %select_n3A_51 = arith.select %eq3A_48, %broadcast_in_dim3A_50, %select_n3A_35 : vector<128x10240xi1>, vector<128x10240xf32>
    %reduce_min3A_52 = arith.constant dense<0x7F800000> : vector<128xf32>
    %reduce_min3A_53 = vector.multi_reduction <minimumf>, %select_n3A_51, %reduce_min3A_52 [1] : vector<128x10240xf32> to vector<128xf32>
    %broadcast_in_dim3A_54 = vector.shape_cast %reduce_min3A_53 : vector<128xf32> to vector<128x1xf32>
    %eq3A_55 = vector.broadcast %broadcast_in_dim3A_54 : vector<128x1xf32> to vector<128x10240xf32>
    %eq3A_56 = arith.cmpf oeq, %select_n3A_51, %eq3A_55 : vector<128x10240xf32>
    %jit3A_57 = arith.constant 1073741824 : i32
    %broadcast_in_dim3A_58 = vector.broadcast %jit3A_57 : i32 to vector<128x10240xi32>
    %select_n3A_59 = arith.select %eq3A_56, %iota3A_19, %broadcast_in_dim3A_58 : vector<128x10240xi1>, vector<128x10240xi32>
    %reduce_min3A_60 = arith.constant dense<2147483647> : vector<128xi32>
    %reduce_min3A_61 = vector.multi_reduction <minsi>, %select_n3A_59, %reduce_min3A_60 [1] : vector<128x10240xi32> to vector<128xi32>
    %broadcast_in_dim3A_62 = vector.shape_cast %reduce_min3A_61 : vector<128xi32> to vector<128x1xi32>
    %eq3A_63 = vector.broadcast %broadcast_in_dim3A_62 : vector<128x1xi32> to vector<128x10240xi32>
    %eq3A_64 = arith.cmpi eq, %iota3A_19, %eq3A_63 : vector<128x10240xi32>
    %jit3A_65 = arith.constant 0x7F800000 : f32
    %broadcast_in_dim3A_66 = vector.broadcast %jit3A_65 : f32 to vector<128x10240xf32>
    %select_n3A_67 = arith.select %eq3A_64, %broadcast_in_dim3A_66, %select_n3A_51 : vector<128x10240xi1>, vector<128x10240xf32>
    %reduce_min3A_68 = arith.constant dense<0x7F800000> : vector<128xf32>
    %reduce_min3A_69 = vector.multi_reduction <minimumf>, %select_n3A_67, %reduce_min3A_68 [1] : vector<128x10240xf32> to vector<128xf32>
    %broadcast_in_dim3A_70 = vector.shape_cast %reduce_min3A_69 : vector<128xf32> to vector<128x1xf32>
    %eq3A_71 = vector.broadcast %broadcast_in_dim3A_70 : vector<128x1xf32> to vector<128x10240xf32>
    %eq3A_72 = arith.cmpf oeq, %select_n3A_67, %eq3A_71 : vector<128x10240xf32>
    %jit3A_73 = arith.constant 1073741824 : i32
    %broadcast_in_dim3A_74 = vector.broadcast %jit3A_73 : i32 to vector<128x10240xi32>
    %select_n3A_75 = arith.select %eq3A_72, %iota3A_19, %broadcast_in_dim3A_74 : vector<128x10240xi1>, vector<128x10240xi32>
    %reduce_min3A_76 = arith.constant dense<2147483647> : vector<128xi32>
    %reduce_min3A_77 = vector.multi_reduction <minsi>, %select_n3A_75, %reduce_min3A_76 [1] : vector<128x10240xi32> to vector<128xi32>
    %broadcast_in_dim3A_78 = vector.shape_cast %reduce_min3A_77 : vector<128xi32> to vector<128x1xi32>
    %eq3A_79 = vector.broadcast %broadcast_in_dim3A_78 : vector<128x1xi32> to vector<128x10240xi32>
    %eq3A_80 = arith.cmpi eq, %iota3A_19, %eq3A_79 : vector<128x10240xi32>
    %jit3A_81 = arith.constant 0x7F800000 : f32
    %broadcast_in_dim3A_82 = vector.broadcast %jit3A_81 : f32 to vector<128x10240xf32>
    %select_n3A_83 = arith.select %eq3A_80, %broadcast_in_dim3A_82, %select_n3A_67 : vector<128x10240xi1>, vector<128x10240xf32>
    %reduce_min3A_84 = arith.constant dense<0x7F800000> : vector<128xf32>
    %reduce_min3A_85 = vector.multi_reduction <minimumf>, %select_n3A_83, %reduce_min3A_84 [1] : vector<128x10240xf32> to vector<128xf32>
    %broadcast_in_dim3A_86 = vector.shape_cast %reduce_min3A_85 : vector<128xf32> to vector<128x1xf32>
    %eq3A_87 = vector.broadcast %broadcast_in_dim3A_86 : vector<128x1xf32> to vector<128x10240xf32>
    %eq3A_88 = arith.cmpf oeq, %select_n3A_83, %eq3A_87 : vector<128x10240xf32>
    %jit3A_89 = arith.constant 1073741824 : i32
    %broadcast_in_dim3A_90 = vector.broadcast %jit3A_89 : i32 to vector<128x10240xi32>
    %select_n3A_91 = arith.select %eq3A_88, %iota3A_19, %broadcast_in_dim3A_90 : vector<128x10240xi1>, vector<128x10240xi32>
    %reduce_min3A_92 = arith.constant dense<2147483647> : vector<128xi32>
    %reduce_min3A_93 = vector.multi_reduction <minsi>, %select_n3A_91, %reduce_min3A_92 [1] : vector<128x10240xi32> to vector<128xi32>
    %broadcast_in_dim3A_94 = vector.shape_cast %reduce_min3A_93 : vector<128xi32> to vector<128x1xi32>
    %eq3A_95 = vector.broadcast %broadcast_in_dim3A_94 : vector<128x1xi32> to vector<128x10240xi32>
    %eq3A_96 = arith.cmpi eq, %iota3A_19, %eq3A_95 : vector<128x10240xi32>
    %jit3A_97 = arith.constant 0x7F800000 : f32
    %broadcast_in_dim3A_98 = vector.broadcast %jit3A_97 : f32 to vector<128x10240xf32>
    %select_n3A_99 = arith.select %eq3A_96, %broadcast_in_dim3A_98, %select_n3A_83 : vector<128x10240xi1>, vector<128x10240xf32>
    %reduce_min3A_100 = arith.constant dense<0x7F800000> : vector<128xf32>
    %reduce_min3A_101 = vector.multi_reduction <minimumf>, %select_n3A_99, %reduce_min3A_100 [1] : vector<128x10240xf32> to vector<128xf32>
    %broadcast_in_dim3A_102 = vector.shape_cast %reduce_min3A_101 : vector<128xf32> to vector<128x1xf32>
    %eq3A_103 = vector.broadcast %broadcast_in_dim3A_102 : vector<128x1xf32> to vector<128x10240xf32>
    %eq3A_104 = arith.cmpf oeq, %select_n3A_99, %eq3A_103 : vector<128x10240xf32>
    %jit3A_105 = arith.constant 1073741824 : i32
    %broadcast_in_dim3A_106 = vector.broadcast %jit3A_105 : i32 to vector<128x10240xi32>
    %select_n3A_107 = arith.select %eq3A_104, %iota3A_19, %broadcast_in_dim3A_106 : vector<128x10240xi1>, vector<128x10240xi32>
    %reduce_min3A_108 = arith.constant dense<2147483647> : vector<128xi32>
    %reduce_min3A_109 = vector.multi_reduction <minsi>, %select_n3A_107, %reduce_min3A_108 [1] : vector<128x10240xi32> to vector<128xi32>
    %broadcast_in_dim3A_110 = vector.shape_cast %reduce_min3A_109 : vector<128xi32> to vector<128x1xi32>
    %eq3A_111 = vector.broadcast %broadcast_in_dim3A_110 : vector<128x1xi32> to vector<128x10240xi32>
    %eq3A_112 = arith.cmpi eq, %iota3A_19, %eq3A_111 : vector<128x10240xi32>
    %jit3A_113 = arith.constant 0x7F800000 : f32
    %broadcast_in_dim3A_114 = vector.broadcast %jit3A_113 : f32 to vector<128x10240xf32>
    %select_n3A_115 = arith.select %eq3A_112, %broadcast_in_dim3A_114, %select_n3A_99 : vector<128x10240xi1>, vector<128x10240xf32>
    %reduce_min3A_116 = arith.constant dense<0x7F800000> : vector<128xf32>
    %reduce_min3A_117 = vector.multi_reduction <minimumf>, %select_n3A_115, %reduce_min3A_116 [1] : vector<128x10240xf32> to vector<128xf32>
    %broadcast_in_dim3A_118 = vector.shape_cast %reduce_min3A_117 : vector<128xf32> to vector<128x1xf32>
    %eq3A_119 = vector.broadcast %broadcast_in_dim3A_118 : vector<128x1xf32> to vector<128x10240xf32>
    %eq3A_120 = arith.cmpf oeq, %select_n3A_115, %eq3A_119 : vector<128x10240xf32>
    %jit3A_121 = arith.constant 1073741824 : i32
    %broadcast_in_dim3A_122 = vector.broadcast %jit3A_121 : i32 to vector<128x10240xi32>
    %select_n3A_123 = arith.select %eq3A_120, %iota3A_19, %broadcast_in_dim3A_122 : vector<128x10240xi1>, vector<128x10240xi32>
    %reduce_min3A_124 = arith.constant dense<2147483647> : vector<128xi32>
    %reduce_min3A_125 = vector.multi_reduction <minsi>, %select_n3A_123, %reduce_min3A_124 [1] : vector<128x10240xi32> to vector<128xi32>
    %broadcast_in_dim3A_126 = vector.shape_cast %reduce_min3A_125 : vector<128xi32> to vector<128x1xi32>
    %eq3A_127 = vector.broadcast %broadcast_in_dim3A_126 : vector<128x1xi32> to vector<128x10240xi32>
    %eq3A_128 = arith.cmpi eq, %iota3A_19, %eq3A_127 : vector<128x10240xi32>
    %jit3A_129 = arith.constant 0x7F800000 : f32
    %broadcast_in_dim3A_130 = vector.broadcast %jit3A_129 : f32 to vector<128x10240xf32>
    %select_n3A_131 = arith.select %eq3A_128, %broadcast_in_dim3A_130, %select_n3A_115 : vector<128x10240xi1>, vector<128x10240xf32>
    %reduce_min3A_132 = arith.constant dense<0x7F800000> : vector<128xf32>
    %reduce_min3A_133 = vector.multi_reduction <minimumf>, %select_n3A_131, %reduce_min3A_132 [1] : vector<128x10240xf32> to vector<128xf32>
    %broadcast_in_dim3A_134 = vector.shape_cast %reduce_min3A_133 : vector<128xf32> to vector<128x1xf32>
    %eq3A_135 = vector.broadcast %broadcast_in_dim3A_134 : vector<128x1xf32> to vector<128x10240xf32>
    %eq3A_136 = arith.cmpf oeq, %select_n3A_131, %eq3A_135 : vector<128x10240xf32>
    %jit3A_137 = arith.constant 1073741824 : i32
    %broadcast_in_dim3A_138 = vector.broadcast %jit3A_137 : i32 to vector<128x10240xi32>
    %select_n3A_139 = arith.select %eq3A_136, %iota3A_19, %broadcast_in_dim3A_138 : vector<128x10240xi1>, vector<128x10240xi32>
    %reduce_min3A_140 = arith.constant dense<2147483647> : vector<128xi32>
    %reduce_min3A_141 = vector.multi_reduction <minsi>, %select_n3A_139, %reduce_min3A_140 [1] : vector<128x10240xi32> to vector<128xi32>
    %broadcast_in_dim3A_142 = vector.shape_cast %reduce_min3A_141 : vector<128xi32> to vector<128x1xi32>
    %eq3A_143 = vector.broadcast %broadcast_in_dim3A_142 : vector<128x1xi32> to vector<128x10240xi32>
    %eq3A_144 = arith.cmpi eq, %iota3A_19, %eq3A_143 : vector<128x10240xi32>
    %jit3A_145 = arith.constant 0x7F800000 : f32
    %broadcast_in_dim3A_146 = vector.broadcast %jit3A_145 : f32 to vector<128x10240xf32>
    %select_n3A_147 = arith.select %eq3A_144, %broadcast_in_dim3A_146, %select_n3A_131 : vector<128x10240xi1>, vector<128x10240xf32>
    %reduce_min3A_148 = arith.constant dense<0x7F800000> : vector<128xf32>
    %reduce_min3A_149 = vector.multi_reduction <minimumf>, %select_n3A_147, %reduce_min3A_148 [1] : vector<128x10240xf32> to vector<128xf32>
    %broadcast_in_dim3A_150 = vector.shape_cast %reduce_min3A_149 : vector<128xf32> to vector<128x1xf32>
    %eq3A_151 = vector.broadcast %broadcast_in_dim3A_150 : vector<128x1xf32> to vector<128x10240xf32>
    %eq3A_152 = arith.cmpf oeq, %select_n3A_147, %eq3A_151 : vector<128x10240xf32>
    %jit3A_153 = arith.constant 1073741824 : i32
    %broadcast_in_dim3A_154 = vector.broadcast %jit3A_153 : i32 to vector<128x10240xi32>
    %select_n3A_155 = arith.select %eq3A_152, %iota3A_19, %broadcast_in_dim3A_154 : vector<128x10240xi1>, vector<128x10240xi32>
    %reduce_min3A_156 = arith.constant dense<2147483647> : vector<128xi32>
    %reduce_min3A_157 = vector.multi_reduction <minsi>, %select_n3A_155, %reduce_min3A_156 [1] : vector<128x10240xi32> to vector<128xi32>
    %broadcast_in_dim3A_158 = vector.shape_cast %reduce_min3A_157 : vector<128xi32> to vector<128x1xi32>
    %eq3A_159 = vector.broadcast %broadcast_in_dim3A_158 : vector<128x1xi32> to vector<128x10240xi32>
    %eq3A_160 = arith.cmpi eq, %iota3A_19, %eq3A_159 : vector<128x10240xi32>
    %jit3A_161 = arith.constant 0x7F800000 : f32
    %broadcast_in_dim3A_162 = vector.broadcast %jit3A_161 : f32 to vector<128x10240xf32>
    %select_n3A_163 = arith.select %eq3A_160, %broadcast_in_dim3A_162, %select_n3A_147 : vector<128x10240xi1>, vector<128x10240xf32>
    %reduce_min3A_164 = arith.constant dense<0x7F800000> : vector<128xf32>
    %reduce_min3A_165 = vector.multi_reduction <minimumf>, %select_n3A_163, %reduce_min3A_164 [1] : vector<128x10240xf32> to vector<128xf32>
    %broadcast_in_dim3A_166 = vector.shape_cast %reduce_min3A_165 : vector<128xf32> to vector<128x1xf32>
    %eq3A_167 = vector.broadcast %broadcast_in_dim3A_166 : vector<128x1xf32> to vector<128x10240xf32>
    %eq3A_168 = arith.cmpf oeq, %select_n3A_163, %eq3A_167 : vector<128x10240xf32>
    %jit3A_169 = arith.constant 1073741824 : i32
    %broadcast_in_dim3A_170 = vector.broadcast %jit3A_169 : i32 to vector<128x10240xi32>
    %select_n3A_171 = arith.select %eq3A_168, %iota3A_19, %broadcast_in_dim3A_170 : vector<128x10240xi1>, vector<128x10240xi32>
    %reduce_min3A_172 = arith.constant dense<2147483647> : vector<128xi32>
    %reduce_min3A_173 = vector.multi_reduction <minsi>, %select_n3A_171, %reduce_min3A_172 [1] : vector<128x10240xi32> to vector<128xi32>
    %broadcast_in_dim3A_174 = vector.shape_cast %reduce_min3A_173 : vector<128xi32> to vector<128x1xi32>
    %eq3A_175 = vector.broadcast %broadcast_in_dim3A_174 : vector<128x1xi32> to vector<128x10240xi32>
    %eq3A_176 = arith.cmpi eq, %iota3A_19, %eq3A_175 : vector<128x10240xi32>
    %jit3A_177 = arith.constant 0x7F800000 : f32
    %broadcast_in_dim3A_178 = vector.broadcast %jit3A_177 : f32 to vector<128x10240xf32>
    %select_n3A_179 = arith.select %eq3A_176, %broadcast_in_dim3A_178, %select_n3A_163 : vector<128x10240xi1>, vector<128x10240xf32>
    %reduce_min3A_180 = arith.constant dense<0x7F800000> : vector<128xf32>
    %reduce_min3A_181 = vector.multi_reduction <minimumf>, %select_n3A_179, %reduce_min3A_180 [1] : vector<128x10240xf32> to vector<128xf32>
    %broadcast_in_dim3A_182 = vector.shape_cast %reduce_min3A_181 : vector<128xf32> to vector<128x1xf32>
    %eq3A_183 = vector.broadcast %broadcast_in_dim3A_182 : vector<128x1xf32> to vector<128x10240xf32>
    %eq3A_184 = arith.cmpf oeq, %select_n3A_179, %eq3A_183 : vector<128x10240xf32>
    %jit3A_185 = arith.constant 1073741824 : i32
    %broadcast_in_dim3A_186 = vector.broadcast %jit3A_185 : i32 to vector<128x10240xi32>
    %select_n3A_187 = arith.select %eq3A_184, %iota3A_19, %broadcast_in_dim3A_186 : vector<128x10240xi1>, vector<128x10240xi32>
    %reduce_min3A_188 = arith.constant dense<2147483647> : vector<128xi32>
    %reduce_min3A_189 = vector.multi_reduction <minsi>, %select_n3A_187, %reduce_min3A_188 [1] : vector<128x10240xi32> to vector<128xi32>
    %broadcast_in_dim3A_190 = vector.shape_cast %reduce_min3A_189 : vector<128xi32> to vector<128x1xi32>
    %eq3A_191 = vector.broadcast %broadcast_in_dim3A_190 : vector<128x1xi32> to vector<128x10240xi32>
    %eq3A_192 = arith.cmpi eq, %iota3A_19, %eq3A_191 : vector<128x10240xi32>
    %jit3A_193 = arith.constant 0x7F800000 : f32
    %broadcast_in_dim3A_194 = vector.broadcast %jit3A_193 : f32 to vector<128x10240xf32>
    %select_n3A_195 = arith.select %eq3A_192, %broadcast_in_dim3A_194, %select_n3A_179 : vector<128x10240xi1>, vector<128x10240xf32>
    %reduce_min3A_196 = arith.constant dense<0x7F800000> : vector<128xf32>
    %reduce_min3A_197 = vector.multi_reduction <minimumf>, %select_n3A_195, %reduce_min3A_196 [1] : vector<128x10240xf32> to vector<128xf32>
    %broadcast_in_dim3A_198 = vector.shape_cast %reduce_min3A_197 : vector<128xf32> to vector<128x1xf32>
    %eq3A_199 = vector.broadcast %broadcast_in_dim3A_198 : vector<128x1xf32> to vector<128x10240xf32>
    %eq3A_200 = arith.cmpf oeq, %select_n3A_195, %eq3A_199 : vector<128x10240xf32>
    %jit3A_201 = arith.constant 1073741824 : i32
    %broadcast_in_dim3A_202 = vector.broadcast %jit3A_201 : i32 to vector<128x10240xi32>
    %select_n3A_203 = arith.select %eq3A_200, %iota3A_19, %broadcast_in_dim3A_202 : vector<128x10240xi1>, vector<128x10240xi32>
    %reduce_min3A_204 = arith.constant dense<2147483647> : vector<128xi32>
    %reduce_min3A_205 = vector.multi_reduction <minsi>, %select_n3A_203, %reduce_min3A_204 [1] : vector<128x10240xi32> to vector<128xi32>
    %broadcast_in_dim3A_206 = vector.shape_cast %reduce_min3A_205 : vector<128xi32> to vector<128x1xi32>
    %eq3A_207 = vector.broadcast %broadcast_in_dim3A_206 : vector<128x1xi32> to vector<128x10240xi32>
    %eq3A_208 = arith.cmpi eq, %iota3A_19, %eq3A_207 : vector<128x10240xi32>
    %jit3A_209 = arith.constant 0x7F800000 : f32
    %broadcast_in_dim3A_210 = vector.broadcast %jit3A_209 : f32 to vector<128x10240xf32>
    %select_n3A_211 = arith.select %eq3A_208, %broadcast_in_dim3A_210, %select_n3A_195 : vector<128x10240xi1>, vector<128x10240xf32>
    %reduce_min3A_212 = arith.constant dense<0x7F800000> : vector<128xf32>
    %reduce_min3A_213 = vector.multi_reduction <minimumf>, %select_n3A_211, %reduce_min3A_212 [1] : vector<128x10240xf32> to vector<128xf32>
    %broadcast_in_dim3A_214 = vector.shape_cast %reduce_min3A_213 : vector<128xf32> to vector<128x1xf32>
    %eq3A_215 = vector.broadcast %broadcast_in_dim3A_214 : vector<128x1xf32> to vector<128x10240xf32>
    %eq3A_216 = arith.cmpf oeq, %select_n3A_211, %eq3A_215 : vector<128x10240xf32>
    %jit3A_217 = arith.constant 1073741824 : i32
    %broadcast_in_dim3A_218 = vector.broadcast %jit3A_217 : i32 to vector<128x10240xi32>
    %select_n3A_219 = arith.select %eq3A_216, %iota3A_19, %broadcast_in_dim3A_218 : vector<128x10240xi1>, vector<128x10240xi32>
    %reduce_min3A_220 = arith.constant dense<2147483647> : vector<128xi32>
    %reduce_min3A_221 = vector.multi_reduction <minsi>, %select_n3A_219, %reduce_min3A_220 [1] : vector<128x10240xi32> to vector<128xi32>
    %broadcast_in_dim3A_222 = vector.shape_cast %reduce_min3A_221 : vector<128xi32> to vector<128x1xi32>
    %eq3A_223 = vector.broadcast %broadcast_in_dim3A_222 : vector<128x1xi32> to vector<128x10240xi32>
    %eq3A_224 = arith.cmpi eq, %iota3A_19, %eq3A_223 : vector<128x10240xi32>
    %jit3A_225 = arith.constant 0x7F800000 : f32
    %broadcast_in_dim3A_226 = vector.broadcast %jit3A_225 : f32 to vector<128x10240xf32>
    %select_n3A_227 = arith.select %eq3A_224, %broadcast_in_dim3A_226, %select_n3A_211 : vector<128x10240xi1>, vector<128x10240xf32>
    %reduce_min3A_228 = arith.constant dense<0x7F800000> : vector<128xf32>
    %reduce_min3A_229 = vector.multi_reduction <minimumf>, %select_n3A_227, %reduce_min3A_228 [1] : vector<128x10240xf32> to vector<128xf32>
    %broadcast_in_dim3A_230 = vector.shape_cast %reduce_min3A_229 : vector<128xf32> to vector<128x1xf32>
    %eq3A_231 = vector.broadcast %broadcast_in_dim3A_230 : vector<128x1xf32> to vector<128x10240xf32>
    %eq3A_232 = arith.cmpf oeq, %select_n3A_227, %eq3A_231 : vector<128x10240xf32>
    %jit3A_233 = arith.constant 1073741824 : i32
    %broadcast_in_dim3A_234 = vector.broadcast %jit3A_233 : i32 to vector<128x10240xi32>
    %select_n3A_235 = arith.select %eq3A_232, %iota3A_19, %broadcast_in_dim3A_234 : vector<128x10240xi1>, vector<128x10240xi32>
    %reduce_min3A_236 = arith.constant dense<2147483647> : vector<128xi32>
    %reduce_min3A_237 = vector.multi_reduction <minsi>, %select_n3A_235, %reduce_min3A_236 [1] : vector<128x10240xi32> to vector<128xi32>
    %broadcast_in_dim3A_238 = vector.shape_cast %reduce_min3A_237 : vector<128xi32> to vector<128x1xi32>
    %eq3A_239 = vector.broadcast %broadcast_in_dim3A_238 : vector<128x1xi32> to vector<128x10240xi32>
    %eq3A_240 = arith.cmpi eq, %iota3A_19, %eq3A_239 : vector<128x10240xi32>
    %jit3A_241 = arith.constant 0x7F800000 : f32
    %broadcast_in_dim3A_242 = vector.broadcast %jit3A_241 : f32 to vector<128x10240xf32>
    %select_n3A_243 = arith.select %eq3A_240, %broadcast_in_dim3A_242, %select_n3A_227 : vector<128x10240xi1>, vector<128x10240xf32>
    %reduce_min3A_244 = arith.constant dense<0x7F800000> : vector<128xf32>
    %reduce_min3A_245 = vector.multi_reduction <minimumf>, %select_n3A_243, %reduce_min3A_244 [1] : vector<128x10240xf32> to vector<128xf32>
    %broadcast_in_dim3A_246 = vector.shape_cast %reduce_min3A_245 : vector<128xf32> to vector<128x1xf32>
    %eq3A_247 = vector.broadcast %broadcast_in_dim3A_246 : vector<128x1xf32> to vector<128x10240xf32>
    %eq3A_248 = arith.cmpf oeq, %select_n3A_243, %eq3A_247 : vector<128x10240xf32>
    %jit3A_249 = arith.constant 1073741824 : i32
    %broadcast_in_dim3A_250 = vector.broadcast %jit3A_249 : i32 to vector<128x10240xi32>
    %select_n3A_251 = arith.select %eq3A_248, %iota3A_19, %broadcast_in_dim3A_250 : vector<128x10240xi1>, vector<128x10240xi32>
    %reduce_min3A_252 = arith.constant dense<2147483647> : vector<128xi32>
    %reduce_min3A_253 = vector.multi_reduction <minsi>, %select_n3A_251, %reduce_min3A_252 [1] : vector<128x10240xi32> to vector<128xi32>
    %broadcast_in_dim3A_254 = vector.shape_cast %reduce_min3A_253 : vector<128xi32> to vector<128x1xi32>
    %eq3A_255 = vector.broadcast %broadcast_in_dim3A_254 : vector<128x1xi32> to vector<128x10240xi32>
    %eq3A_256 = arith.cmpi eq, %iota3A_19, %eq3A_255 : vector<128x10240xi32>
    %jit3A_257 = arith.constant 0x7F800000 : f32
    %broadcast_in_dim3A_258 = vector.broadcast %jit3A_257 : f32 to vector<128x10240xf32>
    %select_n3A_259 = arith.select %eq3A_256, %broadcast_in_dim3A_258, %select_n3A_243 : vector<128x10240xi1>, vector<128x10240xf32>
    %reduce_min3A_260 = arith.constant dense<0x7F800000> : vector<128xf32>
    %reduce_min3A_261 = vector.multi_reduction <minimumf>, %select_n3A_259, %reduce_min3A_260 [1] : vector<128x10240xf32> to vector<128xf32>
    %broadcast_in_dim3A_262 = vector.shape_cast %reduce_min3A_261 : vector<128xf32> to vector<128x1xf32>
    %eq3A_263 = vector.broadcast %broadcast_in_dim3A_262 : vector<128x1xf32> to vector<128x10240xf32>
    %eq3A_264 = arith.cmpf oeq, %select_n3A_259, %eq3A_263 : vector<128x10240xf32>
    %jit3A_265 = arith.constant 1073741824 : i32
    %broadcast_in_dim3A_266 = vector.broadcast %jit3A_265 : i32 to vector<128x10240xi32>
    %select_n3A_267 = arith.select %eq3A_264, %iota3A_19, %broadcast_in_dim3A_266 : vector<128x10240xi1>, vector<128x10240xi32>
    %reduce_min3A_268 = arith.constant dense<2147483647> : vector<128xi32>
    %reduce_min3A_269 = vector.multi_reduction <minsi>, %select_n3A_267, %reduce_min3A_268 [1] : vector<128x10240xi32> to vector<128xi32>
    %broadcast_in_dim3A_270 = vector.shape_cast %reduce_min3A_269 : vector<128xi32> to vector<128x1xi32>
    %concatenate3A = tpu.concatenate %broadcast_in_dim3A_30, %broadcast_in_dim3A_46, %broadcast_in_dim3A_62, %broadcast_in_dim3A_78, %broadcast_in_dim3A_94, %broadcast_in_dim3A_110, %broadcast_in_dim3A_126, %broadcast_in_dim3A_142, %broadcast_in_dim3A_158, %broadcast_in_dim3A_174, %broadcast_in_dim3A_190, %broadcast_in_dim3A_206, %broadcast_in_dim3A_222, %broadcast_in_dim3A_238, %broadcast_in_dim3A_254, %broadcast_in_dim3A_270 in 1 : vector<128x1xi32>, vector<128x1xi32>, vector<128x1xi32>, vector<128x1xi32>, vector<128x1xi32>, vector<128x1xi32>, vector<128x1xi32>, vector<128x1xi32>, vector<128x1xi32>, vector<128x1xi32>, vector<128x1xi32>, vector<128x1xi32>, vector<128x1xi32>, vector<128x1xi32>, vector<128x1xi32>, vector<128x1xi32> -> vector<128x16xi32>
    %swap3A = arith.constant 0 : index
    %swap3A_271 = arith.constant 0 : index
    %swap3A_272 = vector.load %arg4[%swap3A, %swap3A_271] : memref<128x16xi32, #tpu.memory_space<vmem>>, vector<128x16xi32>
    tpu.vector_store %arg4[%swap3A, %swap3A_271], %concatenate3A {strides = array<i32>} : memref<128x16xi32, #tpu.memory_space<vmem>>, vector<128x16xi32>,
    return
  }
  func.func @transform_0(%arg0: i32) -> (i32, i32) {
    %c0_i32 = arith.constant 0 : i32
    %c0_i32_0 = arith.constant 0 : i32
    %c0_i32_1 = arith.constant 0 : i32
    return %c0_i32, %c0_i32_0 : i32, i32
  }
  func.func @transform_1(%arg0: i32) -> (i32, i32) {
    %c0_i32 = arith.constant 0 : i32
    %c0_i32_0 = arith.constant 0 : i32
    return %arg0, %c0_i32 : i32, i32
  }
  func.func @transform_2(%arg0: i32) -> (i32, i32) {
    %c0_i32 = arith.constant 0 : i32
    %c0_i32_0 = arith.constant 0 : i32
    %c0_i32_1 = arith.constant 0 : i32
    return %c0_i32, %c0_i32_0 : i32, i32
  }
  func.func @transform_3(%arg0: i32) -> (i32, i32) {
    %c0_i32 = arith.constant 0 : i32
    %c0_i32_0 = arith.constant 0 : i32
    return %arg0, %c0_i32 : i32, i32
  }
}

module attributes {stable_mosaic.version = 14 : i64} {
  func.func @_tables_body(%arg0: i32, %arg1: memref<1024x128xf32, #tpu.memory_space<vmem>>, %arg2: memref<128x128xf32, #tpu.memory_space<vmem>>, %arg3: memref<128x128xf32, #tpu.memory_space<vmem>>, %arg4: memref<1x128xf32, #tpu.memory_space<vmem>>, %arg5: memref<1024x128xf32, #tpu.memory_space<vmem>>, %arg6: memref<1024x128xf32, #tpu.memory_space<vmem>>) attributes {dimension_semantics = [#tpu.dimension_semantics<arbitrary>], iteration_bounds = array<i64: 10>, scalar_prefetch = 0 : i64, scratch_operands = 0 : i64, tpu.core_type = #tpu.core_type<tc>, window_params = [{transform_indices = @transform_0, window_bounds = array<i64: 1024, 128>}, {pipeline_mode = #tpu.pipeline_mode<synchronous>, transform_indices = @transform_1, window_bounds = array<i64: 128, 128>}, {pipeline_mode = #tpu.pipeline_mode<synchronous>, transform_indices = @transform_2, window_bounds = array<i64: 128, 128>}, {pipeline_mode = #tpu.pipeline_mode<synchronous>, transform_indices = @transform_3, window_bounds = array<i64: 1, 128>}, {transform_indices = @transform_4, window_bounds = array<i64: 1024, 128>}, {transform_indices = @transform_5, window_bounds = array<i64: 1024, 128>}]} {
    %get3A = arith.constant 0 : index
    %get3A_0 = arith.constant 0 : index
    %get3A_1 = vector.load %arg1[%get3A, %get3A_0] : memref<1024x128xf32, #tpu.memory_space<vmem>>, vector<1024x128xf32>
    %get3A_2 = arith.constant 0 : index
    %get3A_3 = arith.constant 0 : index
    %get3A_4 = vector.load %arg2[%get3A_2, %get3A_3] : memref<128x128xf32, #tpu.memory_space<vmem>>, vector<128x128xf32>
    %dot_general3A = arith.constant dense<0.000000e+00> : vector<1024x128xf32>
    %dot_general3A_5 = tpu.matmul %get3A_1, %get3A_4, %dot_general3A {dimension_numbers = #tpu.dot_dimension_numbers<[1], [0], [0], [1], [0, 0, 1, 1], [], []>, transpose_lhs_hint = false} : vector<1024x128xf32>, vector<128x128xf32>, vector<1024x128xf32> -> vector<1024x128xf32>
    %get3A_6 = arith.constant 0 : index
    %get3A_7 = arith.constant 0 : index
    %get3A_8 = vector.load %arg4[%get3A_6, %get3A_7] : memref<1x128xf32, #tpu.memory_space<vmem>>, vector<1x128xf32>
    %add3A = vector.broadcast %get3A_8 : vector<1x128xf32> to vector<1024x128xf32>
    %add3A_9 = arith.addf %dot_general3A_5, %add3A : vector<1024x128xf32>
    %swap3A = arith.constant 0 : index
    %swap3A_10 = arith.constant 0 : index
    %swap3A_11 = vector.load %arg5[%swap3A, %swap3A_10] : memref<1024x128xf32, #tpu.memory_space<vmem>>, vector<1024x128xf32>
    tpu.vector_store %arg5[%swap3A, %swap3A_10], %add3A_9 {strides = array<i32>} : memref<1024x128xf32, #tpu.memory_space<vmem>>, vector<1024x128xf32>,
    %get3A_12 = arith.constant 0 : index
    %get3A_13 = arith.constant 0 : index
    %get3A_14 = vector.load %arg3[%get3A_12, %get3A_13] : memref<128x128xf32, #tpu.memory_space<vmem>>, vector<128x128xf32>
    %dot_general3A_15 = arith.constant dense<0.000000e+00> : vector<1024x128xf32>
    %dot_general3A_16 = tpu.matmul %get3A_1, %get3A_14, %dot_general3A_15 {dimension_numbers = #tpu.dot_dimension_numbers<[1], [0], [0], [1], [0, 0, 1, 1], [], []>, transpose_lhs_hint = false} : vector<1024x128xf32>, vector<128x128xf32>, vector<1024x128xf32> -> vector<1024x128xf32>
    %swap3A_17 = arith.constant 0 : index
    %swap3A_18 = arith.constant 0 : index
    %swap3A_19 = vector.load %arg6[%swap3A_17, %swap3A_18] : memref<1024x128xf32, #tpu.memory_space<vmem>>, vector<1024x128xf32>
    tpu.vector_store %arg6[%swap3A_17, %swap3A_18], %dot_general3A_16 {strides = array<i32>} : memref<1024x128xf32, #tpu.memory_space<vmem>>, vector<1024x128xf32>,
    return
  }
  func.func @transform_0(%arg0: i32) -> (i32, i32) {
    %c0_i32 = arith.constant 0 : i32
    %c0_i32_0 = arith.constant 0 : i32
    return %arg0, %c0_i32 : i32, i32
  }
  func.func @transform_1(%arg0: i32) -> (i32, i32) {
    %c0_i32 = arith.constant 0 : i32
    %c0_i32_0 = arith.constant 0 : i32
    %c0_i32_1 = arith.constant 0 : i32
    return %c0_i32, %c0_i32_0 : i32, i32
  }
  func.func @transform_2(%arg0: i32) -> (i32, i32) {
    %c0_i32 = arith.constant 0 : i32
    %c0_i32_0 = arith.constant 0 : i32
    %c0_i32_1 = arith.constant 0 : i32
    return %c0_i32, %c0_i32_0 : i32, i32
  }
  func.func @transform_3(%arg0: i32) -> (i32, i32) {
    %c0_i32 = arith.constant 0 : i32
    %c0_i32_0 = arith.constant 0 : i32
    %c0_i32_1 = arith.constant 0 : i32
    return %c0_i32, %c0_i32_0 : i32, i32
  }
  func.func @transform_4(%arg0: i32) -> (i32, i32) {
    %c0_i32 = arith.constant 0 : i32
    %c0_i32_0 = arith.constant 0 : i32
    return %arg0, %c0_i32 : i32, i32
  }
  func.func @transform_5(%arg0: i32) -> (i32, i32) {
    %c0_i32 = arith.constant 0 : i32
    %c0_i32_0 = arith.constant 0 : i32
    return %arg0, %c0_i32 : i32, i32
  }
}

module attributes {stable_mosaic.version = 14 : i64} {
  func.func @_edge_mlp_body(%arg0: i32, %arg1: memref<256x128xf32, #tpu.memory_space<vmem>>, %arg2: memref<256x128xf32, #tpu.memory_space<vmem>>, %arg3: memref<16x256x128xf32, #tpu.memory_space<vmem>>, %arg4: memref<16x256x128xf32, #tpu.memory_space<vmem>>, %arg5: memref<128x128xf32, #tpu.memory_space<vmem>>, %arg6: memref<256x128xf32, #tpu.memory_space<vmem>>, %arg7: memref<16x256x128xf32, #tpu.memory_space<vmem>>) attributes {dimension_semantics = [#tpu.dimension_semantics<arbitrary>], iteration_bounds = array<i64: 40>, scalar_prefetch = 0 : i64, scratch_operands = 0 : i64, tpu.core_type = #tpu.core_type<tc>, window_params = [{transform_indices = @transform_0, window_bounds = array<i64: 256, 128>}, {transform_indices = @transform_1, window_bounds = array<i64: 256, 128>}, {transform_indices = @transform_2, window_bounds = array<i64: 16, 256, 128>}, {transform_indices = @transform_3, window_bounds = array<i64: 16, 256, 128>}, {pipeline_mode = #tpu.pipeline_mode<synchronous>, transform_indices = @transform_4, window_bounds = array<i64: 128, 128>}, {transform_indices = @transform_5, window_bounds = array<i64: 256, 128>}, {transform_indices = @transform_6, window_bounds = array<i64: 16, 256, 128>}]} {
    %get3A = arith.constant 0 : index
    %get3A_0 = arith.constant 0 : index
    %get3A_1 = vector.load %arg1[%get3A, %get3A_0] : memref<256x128xf32, #tpu.memory_space<vmem>>, vector<256x128xf32>
    %get3A_2 = arith.constant 0 : index
    %get3A_3 = arith.constant 0 : index
    %get3A_4 = vector.load %arg2[%get3A_2, %get3A_3] : memref<256x128xf32, #tpu.memory_space<vmem>>, vector<256x128xf32>
    %get3A_5 = arith.constant 0 : index
    %get3A_6 = arith.constant 0 : index
    %get3A_7 = vector.load %arg5[%get3A_5, %get3A_6] : memref<128x128xf32, #tpu.memory_space<vmem>>, vector<128x128xf32>
    %get3A_8 = arith.constant 0 : index
    %get3A_9 = arith.constant 0 : index
    %get3A_10 = arith.constant 0 : index
    %get3A_11 = vector.load %arg4[%get3A_8, %get3A_9, %get3A_10] : memref<16x256x128xf32, #tpu.memory_space<vmem>>, vector<1x256x128xf32>
    %get3A_12 = vector.shape_cast %get3A_11 : vector<1x256x128xf32> to vector<256x128xf32>
    %add3A = arith.addf %get3A_1, %get3A_12 : vector<256x128xf32>
    %get3A_13 = arith.constant 1 : index
    %get3A_14 = arith.constant 0 : index
    %get3A_15 = arith.constant 0 : index
    %get3A_16 = vector.load %arg4[%get3A_13, %get3A_14, %get3A_15] : memref<16x256x128xf32, #tpu.memory_space<vmem>>, vector<1x256x128xf32>
    %get3A_17 = vector.shape_cast %get3A_16 : vector<1x256x128xf32> to vector<256x128xf32>
    %add3A_18 = arith.addf %get3A_1, %get3A_17 : vector<256x128xf32>
    %get3A_19 = arith.constant 2 : index
    %get3A_20 = arith.constant 0 : index
    %get3A_21 = arith.constant 0 : index
    %get3A_22 = vector.load %arg4[%get3A_19, %get3A_20, %get3A_21] : memref<16x256x128xf32, #tpu.memory_space<vmem>>, vector<1x256x128xf32>
    %get3A_23 = vector.shape_cast %get3A_22 : vector<1x256x128xf32> to vector<256x128xf32>
    %add3A_24 = arith.addf %get3A_1, %get3A_23 : vector<256x128xf32>
    %get3A_25 = arith.constant 3 : index
    %get3A_26 = arith.constant 0 : index
    %get3A_27 = arith.constant 0 : index
    %get3A_28 = vector.load %arg4[%get3A_25, %get3A_26, %get3A_27] : memref<16x256x128xf32, #tpu.memory_space<vmem>>, vector<1x256x128xf32>
    %get3A_29 = vector.shape_cast %get3A_28 : vector<1x256x128xf32> to vector<256x128xf32>
    %add3A_30 = arith.addf %get3A_1, %get3A_29 : vector<256x128xf32>
    %get3A_31 = arith.constant 4 : index
    %get3A_32 = arith.constant 0 : index
    %get3A_33 = arith.constant 0 : index
    %get3A_34 = vector.load %arg4[%get3A_31, %get3A_32, %get3A_33] : memref<16x256x128xf32, #tpu.memory_space<vmem>>, vector<1x256x128xf32>
    %get3A_35 = vector.shape_cast %get3A_34 : vector<1x256x128xf32> to vector<256x128xf32>
    %add3A_36 = arith.addf %get3A_1, %get3A_35 : vector<256x128xf32>
    %get3A_37 = arith.constant 5 : index
    %get3A_38 = arith.constant 0 : index
    %get3A_39 = arith.constant 0 : index
    %get3A_40 = vector.load %arg4[%get3A_37, %get3A_38, %get3A_39] : memref<16x256x128xf32, #tpu.memory_space<vmem>>, vector<1x256x128xf32>
    %get3A_41 = vector.shape_cast %get3A_40 : vector<1x256x128xf32> to vector<256x128xf32>
    %add3A_42 = arith.addf %get3A_1, %get3A_41 : vector<256x128xf32>
    %get3A_43 = arith.constant 6 : index
    %get3A_44 = arith.constant 0 : index
    %get3A_45 = arith.constant 0 : index
    %get3A_46 = vector.load %arg4[%get3A_43, %get3A_44, %get3A_45] : memref<16x256x128xf32, #tpu.memory_space<vmem>>, vector<1x256x128xf32>
    %get3A_47 = vector.shape_cast %get3A_46 : vector<1x256x128xf32> to vector<256x128xf32>
    %add3A_48 = arith.addf %get3A_1, %get3A_47 : vector<256x128xf32>
    %get3A_49 = arith.constant 7 : index
    %get3A_50 = arith.constant 0 : index
    %get3A_51 = arith.constant 0 : index
    %get3A_52 = vector.load %arg4[%get3A_49, %get3A_50, %get3A_51] : memref<16x256x128xf32, #tpu.memory_space<vmem>>, vector<1x256x128xf32>
    %get3A_53 = vector.shape_cast %get3A_52 : vector<1x256x128xf32> to vector<256x128xf32>
    %add3A_54 = arith.addf %get3A_1, %get3A_53 : vector<256x128xf32>
    %get3A_55 = arith.constant 8 : index
    %get3A_56 = arith.constant 0 : index
    %get3A_57 = arith.constant 0 : index
    %get3A_58 = vector.load %arg4[%get3A_55, %get3A_56, %get3A_57] : memref<16x256x128xf32, #tpu.memory_space<vmem>>, vector<1x256x128xf32>
    %get3A_59 = vector.shape_cast %get3A_58 : vector<1x256x128xf32> to vector<256x128xf32>
    %add3A_60 = arith.addf %get3A_1, %get3A_59 : vector<256x128xf32>
    %get3A_61 = arith.constant 9 : index
    %get3A_62 = arith.constant 0 : index
    %get3A_63 = arith.constant 0 : index
    %get3A_64 = vector.load %arg4[%get3A_61, %get3A_62, %get3A_63] : memref<16x256x128xf32, #tpu.memory_space<vmem>>, vector<1x256x128xf32>
    %get3A_65 = vector.shape_cast %get3A_64 : vector<1x256x128xf32> to vector<256x128xf32>
    %add3A_66 = arith.addf %get3A_1, %get3A_65 : vector<256x128xf32>
    %get3A_67 = arith.constant 10 : index
    %get3A_68 = arith.constant 0 : index
    %get3A_69 = arith.constant 0 : index
    %get3A_70 = vector.load %arg4[%get3A_67, %get3A_68, %get3A_69] : memref<16x256x128xf32, #tpu.memory_space<vmem>>, vector<1x256x128xf32>
    %get3A_71 = vector.shape_cast %get3A_70 : vector<1x256x128xf32> to vector<256x128xf32>
    %add3A_72 = arith.addf %get3A_1, %get3A_71 : vector<256x128xf32>
    %get3A_73 = arith.constant 11 : index
    %get3A_74 = arith.constant 0 : index
    %get3A_75 = arith.constant 0 : index
    %get3A_76 = vector.load %arg4[%get3A_73, %get3A_74, %get3A_75] : memref<16x256x128xf32, #tpu.memory_space<vmem>>, vector<1x256x128xf32>
    %get3A_77 = vector.shape_cast %get3A_76 : vector<1x256x128xf32> to vector<256x128xf32>
    %add3A_78 = arith.addf %get3A_1, %get3A_77 : vector<256x128xf32>
    %get3A_79 = arith.constant 12 : index
    %get3A_80 = arith.constant 0 : index
    %get3A_81 = arith.constant 0 : index
    %get3A_82 = vector.load %arg4[%get3A_79, %get3A_80, %get3A_81] : memref<16x256x128xf32, #tpu.memory_space<vmem>>, vector<1x256x128xf32>
    %get3A_83 = vector.shape_cast %get3A_82 : vector<1x256x128xf32> to vector<256x128xf32>
    %add3A_84 = arith.addf %get3A_1, %get3A_83 : vector<256x128xf32>
    %get3A_85 = arith.constant 13 : index
    %get3A_86 = arith.constant 0 : index
    %get3A_87 = arith.constant 0 : index
    %get3A_88 = vector.load %arg4[%get3A_85, %get3A_86, %get3A_87] : memref<16x256x128xf32, #tpu.memory_space<vmem>>, vector<1x256x128xf32>
    %get3A_89 = vector.shape_cast %get3A_88 : vector<1x256x128xf32> to vector<256x128xf32>
    %add3A_90 = arith.addf %get3A_1, %get3A_89 : vector<256x128xf32>
    %get3A_91 = arith.constant 14 : index
    %get3A_92 = arith.constant 0 : index
    %get3A_93 = arith.constant 0 : index
    %get3A_94 = vector.load %arg4[%get3A_91, %get3A_92, %get3A_93] : memref<16x256x128xf32, #tpu.memory_space<vmem>>, vector<1x256x128xf32>
    %get3A_95 = vector.shape_cast %get3A_94 : vector<1x256x128xf32> to vector<256x128xf32>
    %add3A_96 = arith.addf %get3A_1, %get3A_95 : vector<256x128xf32>
    %get3A_97 = arith.constant 15 : index
    %get3A_98 = arith.constant 0 : index
    %get3A_99 = arith.constant 0 : index
    %get3A_100 = vector.load %arg4[%get3A_97, %get3A_98, %get3A_99] : memref<16x256x128xf32, #tpu.memory_space<vmem>>, vector<1x256x128xf32>
    %get3A_101 = vector.shape_cast %get3A_100 : vector<1x256x128xf32> to vector<256x128xf32>
    %add3A_102 = arith.addf %get3A_1, %get3A_101 : vector<256x128xf32>
    %get3A_103 = arith.constant 0 : index
    %get3A_104 = arith.constant 0 : index
    %get3A_105 = arith.constant 0 : index
    %get3A_106 = vector.load %arg3[%get3A_103, %get3A_104, %get3A_105] : memref<16x256x128xf32, #tpu.memory_space<vmem>>, vector<1x256x128xf32>
    %get3A_107 = vector.shape_cast %get3A_106 : vector<1x256x128xf32> to vector<256x128xf32>
    %add3A_108 = arith.addf %get3A_107, %get3A_4 : vector<256x128xf32>
    %get3A_109 = arith.constant 1 : index
    %get3A_110 = arith.constant 0 : index
    %get3A_111 = arith.constant 0 : index
    %get3A_112 = vector.load %arg3[%get3A_109, %get3A_110, %get3A_111] : memref<16x256x128xf32, #tpu.memory_space<vmem>>, vector<1x256x128xf32>
    %get3A_113 = vector.shape_cast %get3A_112 : vector<1x256x128xf32> to vector<256x128xf32>
    %add3A_114 = arith.addf %get3A_113, %get3A_4 : vector<256x128xf32>
    %get3A_115 = arith.constant 2 : index
    %get3A_116 = arith.constant 0 : index
    %get3A_117 = arith.constant 0 : index
    %get3A_118 = vector.load %arg3[%get3A_115, %get3A_116, %get3A_117] : memref<16x256x128xf32, #tpu.memory_space<vmem>>, vector<1x256x128xf32>
    %get3A_119 = vector.shape_cast %get3A_118 : vector<1x256x128xf32> to vector<256x128xf32>
    %add3A_120 = arith.addf %get3A_119, %get3A_4 : vector<256x128xf32>
    %get3A_121 = arith.constant 3 : index
    %get3A_122 = arith.constant 0 : index
    %get3A_123 = arith.constant 0 : index
    %get3A_124 = vector.load %arg3[%get3A_121, %get3A_122, %get3A_123] : memref<16x256x128xf32, #tpu.memory_space<vmem>>, vector<1x256x128xf32>
    %get3A_125 = vector.shape_cast %get3A_124 : vector<1x256x128xf32> to vector<256x128xf32>
    %add3A_126 = arith.addf %get3A_125, %get3A_4 : vector<256x128xf32>
    %get3A_127 = arith.constant 4 : index
    %get3A_128 = arith.constant 0 : index
    %get3A_129 = arith.constant 0 : index
    %get3A_130 = vector.load %arg3[%get3A_127, %get3A_128, %get3A_129] : memref<16x256x128xf32, #tpu.memory_space<vmem>>, vector<1x256x128xf32>
    %get3A_131 = vector.shape_cast %get3A_130 : vector<1x256x128xf32> to vector<256x128xf32>
    %add3A_132 = arith.addf %get3A_131, %get3A_4 : vector<256x128xf32>
    %get3A_133 = arith.constant 5 : index
    %get3A_134 = arith.constant 0 : index
    %get3A_135 = arith.constant 0 : index
    %get3A_136 = vector.load %arg3[%get3A_133, %get3A_134, %get3A_135] : memref<16x256x128xf32, #tpu.memory_space<vmem>>, vector<1x256x128xf32>
    %get3A_137 = vector.shape_cast %get3A_136 : vector<1x256x128xf32> to vector<256x128xf32>
    %add3A_138 = arith.addf %get3A_137, %get3A_4 : vector<256x128xf32>
    %get3A_139 = arith.constant 6 : index
    %get3A_140 = arith.constant 0 : index
    %get3A_141 = arith.constant 0 : index
    %get3A_142 = vector.load %arg3[%get3A_139, %get3A_140, %get3A_141] : memref<16x256x128xf32, #tpu.memory_space<vmem>>, vector<1x256x128xf32>
    %get3A_143 = vector.shape_cast %get3A_142 : vector<1x256x128xf32> to vector<256x128xf32>
    %add3A_144 = arith.addf %get3A_143, %get3A_4 : vector<256x128xf32>
    %get3A_145 = arith.constant 7 : index
    %get3A_146 = arith.constant 0 : index
    %get3A_147 = arith.constant 0 : index
    %get3A_148 = vector.load %arg3[%get3A_145, %get3A_146, %get3A_147] : memref<16x256x128xf32, #tpu.memory_space<vmem>>, vector<1x256x128xf32>
    %get3A_149 = vector.shape_cast %get3A_148 : vector<1x256x128xf32> to vector<256x128xf32>
    %add3A_150 = arith.addf %get3A_149, %get3A_4 : vector<256x128xf32>
    %get3A_151 = arith.constant 8 : index
    %get3A_152 = arith.constant 0 : index
    %get3A_153 = arith.constant 0 : index
    %get3A_154 = vector.load %arg3[%get3A_151, %get3A_152, %get3A_153] : memref<16x256x128xf32, #tpu.memory_space<vmem>>, vector<1x256x128xf32>
    %get3A_155 = vector.shape_cast %get3A_154 : vector<1x256x128xf32> to vector<256x128xf32>
    %add3A_156 = arith.addf %get3A_155, %get3A_4 : vector<256x128xf32>
    %get3A_157 = arith.constant 9 : index
    %get3A_158 = arith.constant 0 : index
    %get3A_159 = arith.constant 0 : index
    %get3A_160 = vector.load %arg3[%get3A_157, %get3A_158, %get3A_159] : memref<16x256x128xf32, #tpu.memory_space<vmem>>, vector<1x256x128xf32>
    %get3A_161 = vector.shape_cast %get3A_160 : vector<1x256x128xf32> to vector<256x128xf32>
    %add3A_162 = arith.addf %get3A_161, %get3A_4 : vector<256x128xf32>
    %get3A_163 = arith.constant 10 : index
    %get3A_164 = arith.constant 0 : index
    %get3A_165 = arith.constant 0 : index
    %get3A_166 = vector.load %arg3[%get3A_163, %get3A_164, %get3A_165] : memref<16x256x128xf32, #tpu.memory_space<vmem>>, vector<1x256x128xf32>
    %get3A_167 = vector.shape_cast %get3A_166 : vector<1x256x128xf32> to vector<256x128xf32>
    %add3A_168 = arith.addf %get3A_167, %get3A_4 : vector<256x128xf32>
    %get3A_169 = arith.constant 11 : index
    %get3A_170 = arith.constant 0 : index
    %get3A_171 = arith.constant 0 : index
    %get3A_172 = vector.load %arg3[%get3A_169, %get3A_170, %get3A_171] : memref<16x256x128xf32, #tpu.memory_space<vmem>>, vector<1x256x128xf32>
    %get3A_173 = vector.shape_cast %get3A_172 : vector<1x256x128xf32> to vector<256x128xf32>
    %add3A_174 = arith.addf %get3A_173, %get3A_4 : vector<256x128xf32>
    %get3A_175 = arith.constant 12 : index
    %get3A_176 = arith.constant 0 : index
    %get3A_177 = arith.constant 0 : index
    %get3A_178 = vector.load %arg3[%get3A_175, %get3A_176, %get3A_177] : memref<16x256x128xf32, #tpu.memory_space<vmem>>, vector<1x256x128xf32>
    %get3A_179 = vector.shape_cast %get3A_178 : vector<1x256x128xf32> to vector<256x128xf32>
    %add3A_180 = arith.addf %get3A_179, %get3A_4 : vector<256x128xf32>
    %get3A_181 = arith.constant 13 : index
    %get3A_182 = arith.constant 0 : index
    %get3A_183 = arith.constant 0 : index
    %get3A_184 = vector.load %arg3[%get3A_181, %get3A_182, %get3A_183] : memref<16x256x128xf32, #tpu.memory_space<vmem>>, vector<1x256x128xf32>
    %get3A_185 = vector.shape_cast %get3A_184 : vector<1x256x128xf32> to vector<256x128xf32>
    %add3A_186 = arith.addf %get3A_185, %get3A_4 : vector<256x128xf32>
    %get3A_187 = arith.constant 14 : index
    %get3A_188 = arith.constant 0 : index
    %get3A_189 = arith.constant 0 : index
    %get3A_190 = vector.load %arg3[%get3A_187, %get3A_188, %get3A_189] : memref<16x256x128xf32, #tpu.memory_space<vmem>>, vector<1x256x128xf32>
    %get3A_191 = vector.shape_cast %get3A_190 : vector<1x256x128xf32> to vector<256x128xf32>
    %add3A_192 = arith.addf %get3A_191, %get3A_4 : vector<256x128xf32>
    %get3A_193 = arith.constant 15 : index
    %get3A_194 = arith.constant 0 : index
    %get3A_195 = arith.constant 0 : index
    %get3A_196 = vector.load %arg3[%get3A_193, %get3A_194, %get3A_195] : memref<16x256x128xf32, #tpu.memory_space<vmem>>, vector<1x256x128xf32>
    %get3A_197 = vector.shape_cast %get3A_196 : vector<1x256x128xf32> to vector<256x128xf32>
    %add3A_198 = arith.addf %get3A_197, %get3A_4 : vector<256x128xf32>
    %concatenate3A = tpu.concatenate %add3A, %add3A_18, %add3A_24, %add3A_30, %add3A_36, %add3A_42, %add3A_48, %add3A_54, %add3A_60, %add3A_66, %add3A_72, %add3A_78, %add3A_84, %add3A_90, %add3A_96, %add3A_102, %add3A_108, %add3A_114, %add3A_120, %add3A_126, %add3A_132, %add3A_138, %add3A_144, %add3A_150, %add3A_156, %add3A_162, %add3A_168, %add3A_174, %add3A_180, %add3A_186, %add3A_192, %add3A_198 in 0 : vector<256x128xf32>, vector<256x128xf32>, vector<256x128xf32>, vector<256x128xf32>, vector<256x128xf32>, vector<256x128xf32>, vector<256x128xf32>, vector<256x128xf32>, vector<256x128xf32>, vector<256x128xf32>, vector<256x128xf32>, vector<256x128xf32>, vector<256x128xf32>, vector<256x128xf32>, vector<256x128xf32>, vector<256x128xf32>, vector<256x128xf32>, vector<256x128xf32>, vector<256x128xf32>, vector<256x128xf32>, vector<256x128xf32>, vector<256x128xf32>, vector<256x128xf32>, vector<256x128xf32>, vector<256x128xf32>, vector<256x128xf32>, vector<256x128xf32>, vector<256x128xf32>, vector<256x128xf32>, vector<256x128xf32>, vector<256x128xf32>, vector<256x128xf32> -> vector<8192x128xf32>
    %max3A = arith.constant 0.000000e+00 : f32
    %max3A_199 = vector.broadcast %max3A : f32 to vector<8192x128xf32>
    %max3A_200 = arith.maximumf %concatenate3A, %max3A_199 : vector<8192x128xf32>
    %dot_general3A = arith.constant dense<0.000000e+00> : vector<8192x128xf32>
    %dot_general3A_201 = tpu.matmul %max3A_200, %get3A_7, %dot_general3A {dimension_numbers = #tpu.dot_dimension_numbers<[1], [0], [0], [1], [0, 0, 1, 1], [], []>, transpose_lhs_hint = false} : vector<8192x128xf32>, vector<128x128xf32>, vector<8192x128xf32> -> vector<8192x128xf32>
    %slice3A = vector.extract_strided_slice %dot_general3A_201 {offsets = [0, 0], sizes = [256, 128], strides = [1, 1]} : vector<8192x128xf32> to vector<256x128xf32>
    %slice3A_202 = vector.extract_strided_slice %dot_general3A_201 {offsets = [256, 0], sizes = [256, 128], strides = [1, 1]} : vector<8192x128xf32> to vector<256x128xf32>
    %max3A_203 = arith.maximumf %slice3A, %slice3A_202 : vector<256x128xf32>
    %slice3A_204 = vector.extract_strided_slice %dot_general3A_201 {offsets = [512, 0], sizes = [256, 128], strides = [1, 1]} : vector<8192x128xf32> to vector<256x128xf32>
    %max3A_205 = arith.maximumf %max3A_203, %slice3A_204 : vector<256x128xf32>
    %slice3A_206 = vector.extract_strided_slice %dot_general3A_201 {offsets = [768, 0], sizes = [256, 128], strides = [1, 1]} : vector<8192x128xf32> to vector<256x128xf32>
    %max3A_207 = arith.maximumf %max3A_205, %slice3A_206 : vector<256x128xf32>
    %slice3A_208 = vector.extract_strided_slice %dot_general3A_201 {offsets = [1024, 0], sizes = [256, 128], strides = [1, 1]} : vector<8192x128xf32> to vector<256x128xf32>
    %max3A_209 = arith.maximumf %max3A_207, %slice3A_208 : vector<256x128xf32>
    %slice3A_210 = vector.extract_strided_slice %dot_general3A_201 {offsets = [1280, 0], sizes = [256, 128], strides = [1, 1]} : vector<8192x128xf32> to vector<256x128xf32>
    %max3A_211 = arith.maximumf %max3A_209, %slice3A_210 : vector<256x128xf32>
    %slice3A_212 = vector.extract_strided_slice %dot_general3A_201 {offsets = [1536, 0], sizes = [256, 128], strides = [1, 1]} : vector<8192x128xf32> to vector<256x128xf32>
    %max3A_213 = arith.maximumf %max3A_211, %slice3A_212 : vector<256x128xf32>
    %slice3A_214 = vector.extract_strided_slice %dot_general3A_201 {offsets = [1792, 0], sizes = [256, 128], strides = [1, 1]} : vector<8192x128xf32> to vector<256x128xf32>
    %max3A_215 = arith.maximumf %max3A_213, %slice3A_214 : vector<256x128xf32>
    %slice3A_216 = vector.extract_strided_slice %dot_general3A_201 {offsets = [2048, 0], sizes = [256, 128], strides = [1, 1]} : vector<8192x128xf32> to vector<256x128xf32>
    %max3A_217 = arith.maximumf %max3A_215, %slice3A_216 : vector<256x128xf32>
    %slice3A_218 = vector.extract_strided_slice %dot_general3A_201 {offsets = [2304, 0], sizes = [256, 128], strides = [1, 1]} : vector<8192x128xf32> to vector<256x128xf32>
    %max3A_219 = arith.maximumf %max3A_217, %slice3A_218 : vector<256x128xf32>
    %slice3A_220 = vector.extract_strided_slice %dot_general3A_201 {offsets = [2560, 0], sizes = [256, 128], strides = [1, 1]} : vector<8192x128xf32> to vector<256x128xf32>
    %max3A_221 = arith.maximumf %max3A_219, %slice3A_220 : vector<256x128xf32>
    %slice3A_222 = vector.extract_strided_slice %dot_general3A_201 {offsets = [2816, 0], sizes = [256, 128], strides = [1, 1]} : vector<8192x128xf32> to vector<256x128xf32>
    %max3A_223 = arith.maximumf %max3A_221, %slice3A_222 : vector<256x128xf32>
    %slice3A_224 = vector.extract_strided_slice %dot_general3A_201 {offsets = [3072, 0], sizes = [256, 128], strides = [1, 1]} : vector<8192x128xf32> to vector<256x128xf32>
    %max3A_225 = arith.maximumf %max3A_223, %slice3A_224 : vector<256x128xf32>
    %slice3A_226 = vector.extract_strided_slice %dot_general3A_201 {offsets = [3328, 0], sizes = [256, 128], strides = [1, 1]} : vector<8192x128xf32> to vector<256x128xf32>
    %max3A_227 = arith.maximumf %max3A_225, %slice3A_226 : vector<256x128xf32>
    %slice3A_228 = vector.extract_strided_slice %dot_general3A_201 {offsets = [3584, 0], sizes = [256, 128], strides = [1, 1]} : vector<8192x128xf32> to vector<256x128xf32>
    %max3A_229 = arith.maximumf %max3A_227, %slice3A_228 : vector<256x128xf32>
    %slice3A_230 = vector.extract_strided_slice %dot_general3A_201 {offsets = [3840, 0], sizes = [256, 128], strides = [1, 1]} : vector<8192x128xf32> to vector<256x128xf32>
    %max3A_231 = arith.maximumf %max3A_229, %slice3A_230 : vector<256x128xf32>
    %swap3A = arith.constant 0 : index
    %swap3A_232 = arith.constant 0 : index
    %swap3A_233 = vector.load %arg6[%swap3A, %swap3A_232] : memref<256x128xf32, #tpu.memory_space<vmem>>, vector<256x128xf32>
    tpu.vector_store %arg6[%swap3A, %swap3A_232], %max3A_231 {strides = array<i32>} : memref<256x128xf32, #tpu.memory_space<vmem>>, vector<256x128xf32>,
    %slice3A_234 = vector.extract_strided_slice %dot_general3A_201 {offsets = [4096, 0], sizes = [256, 128], strides = [1, 1]} : vector<8192x128xf32> to vector<256x128xf32>
    %swap3A_235 = arith.constant 0 : index
    %swap3A_236 = arith.constant 0 : index
    %swap3A_237 = arith.constant 0 : index
    %swap3A_238 = vector.load %arg7[%swap3A_235, %swap3A_236, %swap3A_237] : memref<16x256x128xf32, #tpu.memory_space<vmem>>, vector<1x256x128xf32>
    %swap3A_239 = vector.shape_cast %swap3A_238 : vector<1x256x128xf32> to vector<256x128xf32>
    %swap3A_240 = vector.shape_cast %slice3A_234 : vector<256x128xf32> to vector<1x256x128xf32>
    tpu.vector_store %arg7[%swap3A_235, %swap3A_236, %swap3A_237], %swap3A_240 {strides = array<i32>} : memref<16x256x128xf32, #tpu.memory_space<vmem>>, vector<1x256x128xf32>,
    %slice3A_241 = vector.extract_strided_slice %dot_general3A_201 {offsets = [4352, 0], sizes = [256, 128], strides = [1, 1]} : vector<8192x128xf32> to vector<256x128xf32>
    %swap3A_242 = arith.constant 1 : index
    %swap3A_243 = arith.constant 0 : index
    %swap3A_244 = arith.constant 0 : index
    %swap3A_245 = vector.load %arg7[%swap3A_242, %swap3A_243, %swap3A_244] : memref<16x256x128xf32, #tpu.memory_space<vmem>>, vector<1x256x128xf32>
    %swap3A_246 = vector.shape_cast %swap3A_245 : vector<1x256x128xf32> to vector<256x128xf32>
    %swap3A_247 = vector.shape_cast %slice3A_241 : vector<256x128xf32> to vector<1x256x128xf32>
    tpu.vector_store %arg7[%swap3A_242, %swap3A_243, %swap3A_244], %swap3A_247 {strides = array<i32>} : memref<16x256x128xf32, #tpu.memory_space<vmem>>, vector<1x256x128xf32>,
    %slice3A_248 = vector.extract_strided_slice %dot_general3A_201 {offsets = [4608, 0], sizes = [256, 128], strides = [1, 1]} : vector<8192x128xf32> to vector<256x128xf32>
    %swap3A_249 = arith.constant 2 : index
    %swap3A_250 = arith.constant 0 : index
    %swap3A_251 = arith.constant 0 : index
    %swap3A_252 = vector.load %arg7[%swap3A_249, %swap3A_250, %swap3A_251] : memref<16x256x128xf32, #tpu.memory_space<vmem>>, vector<1x256x128xf32>
    %swap3A_253 = vector.shape_cast %swap3A_252 : vector<1x256x128xf32> to vector<256x128xf32>
    %swap3A_254 = vector.shape_cast %slice3A_248 : vector<256x128xf32> to vector<1x256x128xf32>
    tpu.vector_store %arg7[%swap3A_249, %swap3A_250, %swap3A_251], %swap3A_254 {strides = array<i32>} : memref<16x256x128xf32, #tpu.memory_space<vmem>>, vector<1x256x128xf32>,
    %slice3A_255 = vector.extract_strided_slice %dot_general3A_201 {offsets = [4864, 0], sizes = [256, 128], strides = [1, 1]} : vector<8192x128xf32> to vector<256x128xf32>
    %swap3A_256 = arith.constant 3 : index
    %swap3A_257 = arith.constant 0 : index
    %swap3A_258 = arith.constant 0 : index
    %swap3A_259 = vector.load %arg7[%swap3A_256, %swap3A_257, %swap3A_258] : memref<16x256x128xf32, #tpu.memory_space<vmem>>, vector<1x256x128xf32>
    %swap3A_260 = vector.shape_cast %swap3A_259 : vector<1x256x128xf32> to vector<256x128xf32>
    %swap3A_261 = vector.shape_cast %slice3A_255 : vector<256x128xf32> to vector<1x256x128xf32>
    tpu.vector_store %arg7[%swap3A_256, %swap3A_257, %swap3A_258], %swap3A_261 {strides = array<i32>} : memref<16x256x128xf32, #tpu.memory_space<vmem>>, vector<1x256x128xf32>,
    %slice3A_262 = vector.extract_strided_slice %dot_general3A_201 {offsets = [5120, 0], sizes = [256, 128], strides = [1, 1]} : vector<8192x128xf32> to vector<256x128xf32>
    %swap3A_263 = arith.constant 4 : index
    %swap3A_264 = arith.constant 0 : index
    %swap3A_265 = arith.constant 0 : index
    %swap3A_266 = vector.load %arg7[%swap3A_263, %swap3A_264, %swap3A_265] : memref<16x256x128xf32, #tpu.memory_space<vmem>>, vector<1x256x128xf32>
    %swap3A_267 = vector.shape_cast %swap3A_266 : vector<1x256x128xf32> to vector<256x128xf32>
    %swap3A_268 = vector.shape_cast %slice3A_262 : vector<256x128xf32> to vector<1x256x128xf32>
    tpu.vector_store %arg7[%swap3A_263, %swap3A_264, %swap3A_265], %swap3A_268 {strides = array<i32>} : memref<16x256x128xf32, #tpu.memory_space<vmem>>, vector<1x256x128xf32>,
    %slice3A_269 = vector.extract_strided_slice %dot_general3A_201 {offsets = [5376, 0], sizes = [256, 128], strides = [1, 1]} : vector<8192x128xf32> to vector<256x128xf32>
    %swap3A_270 = arith.constant 5 : index
    %swap3A_271 = arith.constant 0 : index
    %swap3A_272 = arith.constant 0 : index
    %swap3A_273 = vector.load %arg7[%swap3A_270, %swap3A_271, %swap3A_272] : memref<16x256x128xf32, #tpu.memory_space<vmem>>, vector<1x256x128xf32>
    %swap3A_274 = vector.shape_cast %swap3A_273 : vector<1x256x128xf32> to vector<256x128xf32>
    %swap3A_275 = vector.shape_cast %slice3A_269 : vector<256x128xf32> to vector<1x256x128xf32>
    tpu.vector_store %arg7[%swap3A_270, %swap3A_271, %swap3A_272], %swap3A_275 {strides = array<i32>} : memref<16x256x128xf32, #tpu.memory_space<vmem>>, vector<1x256x128xf32>,
    %slice3A_276 = vector.extract_strided_slice %dot_general3A_201 {offsets = [5632, 0], sizes = [256, 128], strides = [1, 1]} : vector<8192x128xf32> to vector<256x128xf32>
    %swap3A_277 = arith.constant 6 : index
    %swap3A_278 = arith.constant 0 : index
    %swap3A_279 = arith.constant 0 : index
    %swap3A_280 = vector.load %arg7[%swap3A_277, %swap3A_278, %swap3A_279] : memref<16x256x128xf32, #tpu.memory_space<vmem>>, vector<1x256x128xf32>
    %swap3A_281 = vector.shape_cast %swap3A_280 : vector<1x256x128xf32> to vector<256x128xf32>
    %swap3A_282 = vector.shape_cast %slice3A_276 : vector<256x128xf32> to vector<1x256x128xf32>
    tpu.vector_store %arg7[%swap3A_277, %swap3A_278, %swap3A_279], %swap3A_282 {strides = array<i32>} : memref<16x256x128xf32, #tpu.memory_space<vmem>>, vector<1x256x128xf32>,
    %slice3A_283 = vector.extract_strided_slice %dot_general3A_201 {offsets = [5888, 0], sizes = [256, 128], strides = [1, 1]} : vector<8192x128xf32> to vector<256x128xf32>
    %swap3A_284 = arith.constant 7 : index
    %swap3A_285 = arith.constant 0 : index
    %swap3A_286 = arith.constant 0 : index
    %swap3A_287 = vector.load %arg7[%swap3A_284, %swap3A_285, %swap3A_286] : memref<16x256x128xf32, #tpu.memory_space<vmem>>, vector<1x256x128xf32>
    %swap3A_288 = vector.shape_cast %swap3A_287 : vector<1x256x128xf32> to vector<256x128xf32>
    %swap3A_289 = vector.shape_cast %slice3A_283 : vector<256x128xf32> to vector<1x256x128xf32>
    tpu.vector_store %arg7[%swap3A_284, %swap3A_285, %swap3A_286], %swap3A_289 {strides = array<i32>} : memref<16x256x128xf32, #tpu.memory_space<vmem>>, vector<1x256x128xf32>,
    %slice3A_290 = vector.extract_strided_slice %dot_general3A_201 {offsets = [6144, 0], sizes = [256, 128], strides = [1, 1]} : vector<8192x128xf32> to vector<256x128xf32>
    %swap3A_291 = arith.constant 8 : index
    %swap3A_292 = arith.constant 0 : index
    %swap3A_293 = arith.constant 0 : index
    %swap3A_294 = vector.load %arg7[%swap3A_291, %swap3A_292, %swap3A_293] : memref<16x256x128xf32, #tpu.memory_space<vmem>>, vector<1x256x128xf32>
    %swap3A_295 = vector.shape_cast %swap3A_294 : vector<1x256x128xf32> to vector<256x128xf32>
    %swap3A_296 = vector.shape_cast %slice3A_290 : vector<256x128xf32> to vector<1x256x128xf32>
    tpu.vector_store %arg7[%swap3A_291, %swap3A_292, %swap3A_293], %swap3A_296 {strides = array<i32>} : memref<16x256x128xf32, #tpu.memory_space<vmem>>, vector<1x256x128xf32>,
    %slice3A_297 = vector.extract_strided_slice %dot_general3A_201 {offsets = [6400, 0], sizes = [256, 128], strides = [1, 1]} : vector<8192x128xf32> to vector<256x128xf32>
    %swap3A_298 = arith.constant 9 : index
    %swap3A_299 = arith.constant 0 : index
    %swap3A_300 = arith.constant 0 : index
    %swap3A_301 = vector.load %arg7[%swap3A_298, %swap3A_299, %swap3A_300] : memref<16x256x128xf32, #tpu.memory_space<vmem>>, vector<1x256x128xf32>
    %swap3A_302 = vector.shape_cast %swap3A_301 : vector<1x256x128xf32> to vector<256x128xf32>
    %swap3A_303 = vector.shape_cast %slice3A_297 : vector<256x128xf32> to vector<1x256x128xf32>
    tpu.vector_store %arg7[%swap3A_298, %swap3A_299, %swap3A_300], %swap3A_303 {strides = array<i32>} : memref<16x256x128xf32, #tpu.memory_space<vmem>>, vector<1x256x128xf32>,
    %slice3A_304 = vector.extract_strided_slice %dot_general3A_201 {offsets = [6656, 0], sizes = [256, 128], strides = [1, 1]} : vector<8192x128xf32> to vector<256x128xf32>
    %swap3A_305 = arith.constant 10 : index
    %swap3A_306 = arith.constant 0 : index
    %swap3A_307 = arith.constant 0 : index
    %swap3A_308 = vector.load %arg7[%swap3A_305, %swap3A_306, %swap3A_307] : memref<16x256x128xf32, #tpu.memory_space<vmem>>, vector<1x256x128xf32>
    %swap3A_309 = vector.shape_cast %swap3A_308 : vector<1x256x128xf32> to vector<256x128xf32>
    %swap3A_310 = vector.shape_cast %slice3A_304 : vector<256x128xf32> to vector<1x256x128xf32>
    tpu.vector_store %arg7[%swap3A_305, %swap3A_306, %swap3A_307], %swap3A_310 {strides = array<i32>} : memref<16x256x128xf32, #tpu.memory_space<vmem>>, vector<1x256x128xf32>,
    %slice3A_311 = vector.extract_strided_slice %dot_general3A_201 {offsets = [6912, 0], sizes = [256, 128], strides = [1, 1]} : vector<8192x128xf32> to vector<256x128xf32>
    %swap3A_312 = arith.constant 11 : index
    %swap3A_313 = arith.constant 0 : index
    %swap3A_314 = arith.constant 0 : index
    %swap3A_315 = vector.load %arg7[%swap3A_312, %swap3A_313, %swap3A_314] : memref<16x256x128xf32, #tpu.memory_space<vmem>>, vector<1x256x128xf32>
    %swap3A_316 = vector.shape_cast %swap3A_315 : vector<1x256x128xf32> to vector<256x128xf32>
    %swap3A_317 = vector.shape_cast %slice3A_311 : vector<256x128xf32> to vector<1x256x128xf32>
    tpu.vector_store %arg7[%swap3A_312, %swap3A_313, %swap3A_314], %swap3A_317 {strides = array<i32>} : memref<16x256x128xf32, #tpu.memory_space<vmem>>, vector<1x256x128xf32>,
    %slice3A_318 = vector.extract_strided_slice %dot_general3A_201 {offsets = [7168, 0], sizes = [256, 128], strides = [1, 1]} : vector<8192x128xf32> to vector<256x128xf32>
    %swap3A_319 = arith.constant 12 : index
    %swap3A_320 = arith.constant 0 : index
    %swap3A_321 = arith.constant 0 : index
    %swap3A_322 = vector.load %arg7[%swap3A_319, %swap3A_320, %swap3A_321] : memref<16x256x128xf32, #tpu.memory_space<vmem>>, vector<1x256x128xf32>
    %swap3A_323 = vector.shape_cast %swap3A_322 : vector<1x256x128xf32> to vector<256x128xf32>
    %swap3A_324 = vector.shape_cast %slice3A_318 : vector<256x128xf32> to vector<1x256x128xf32>
    tpu.vector_store %arg7[%swap3A_319, %swap3A_320, %swap3A_321], %swap3A_324 {strides = array<i32>} : memref<16x256x128xf32, #tpu.memory_space<vmem>>, vector<1x256x128xf32>,
    %slice3A_325 = vector.extract_strided_slice %dot_general3A_201 {offsets = [7424, 0], sizes = [256, 128], strides = [1, 1]} : vector<8192x128xf32> to vector<256x128xf32>
    %swap3A_326 = arith.constant 13 : index
    %swap3A_327 = arith.constant 0 : index
    %swap3A_328 = arith.constant 0 : index
    %swap3A_329 = vector.load %arg7[%swap3A_326, %swap3A_327, %swap3A_328] : memref<16x256x128xf32, #tpu.memory_space<vmem>>, vector<1x256x128xf32>
    %swap3A_330 = vector.shape_cast %swap3A_329 : vector<1x256x128xf32> to vector<256x128xf32>
    %swap3A_331 = vector.shape_cast %slice3A_325 : vector<256x128xf32> to vector<1x256x128xf32>
    tpu.vector_store %arg7[%swap3A_326, %swap3A_327, %swap3A_328], %swap3A_331 {strides = array<i32>} : memref<16x256x128xf32, #tpu.memory_space<vmem>>, vector<1x256x128xf32>,
    %slice3A_332 = vector.extract_strided_slice %dot_general3A_201 {offsets = [7680, 0], sizes = [256, 128], strides = [1, 1]} : vector<8192x128xf32> to vector<256x128xf32>
    %swap3A_333 = arith.constant 14 : index
    %swap3A_334 = arith.constant 0 : index
    %swap3A_335 = arith.constant 0 : index
    %swap3A_336 = vector.load %arg7[%swap3A_333, %swap3A_334, %swap3A_335] : memref<16x256x128xf32, #tpu.memory_space<vmem>>, vector<1x256x128xf32>
    %swap3A_337 = vector.shape_cast %swap3A_336 : vector<1x256x128xf32> to vector<256x128xf32>
    %swap3A_338 = vector.shape_cast %slice3A_332 : vector<256x128xf32> to vector<1x256x128xf32>
    tpu.vector_store %arg7[%swap3A_333, %swap3A_334, %swap3A_335], %swap3A_338 {strides = array<i32>} : memref<16x256x128xf32, #tpu.memory_space<vmem>>, vector<1x256x128xf32>,
    %slice3A_339 = vector.extract_strided_slice %dot_general3A_201 {offsets = [7936, 0], sizes = [256, 128], strides = [1, 1]} : vector<8192x128xf32> to vector<256x128xf32>
    %swap3A_340 = arith.constant 15 : index
    %swap3A_341 = arith.constant 0 : index
    %swap3A_342 = arith.constant 0 : index
    %swap3A_343 = vector.load %arg7[%swap3A_340, %swap3A_341, %swap3A_342] : memref<16x256x128xf32, #tpu.memory_space<vmem>>, vector<1x256x128xf32>
    %swap3A_344 = vector.shape_cast %swap3A_343 : vector<1x256x128xf32> to vector<256x128xf32>
    %swap3A_345 = vector.shape_cast %slice3A_339 : vector<256x128xf32> to vector<1x256x128xf32>
    tpu.vector_store %arg7[%swap3A_340, %swap3A_341, %swap3A_342], %swap3A_345 {strides = array<i32>} : memref<16x256x128xf32, #tpu.memory_space<vmem>>, vector<1x256x128xf32>,
    return
  }
  func.func @transform_0(%arg0: i32) -> (i32, i32) {
    %c0_i32 = arith.constant 0 : i32
    %c0_i32_0 = arith.constant 0 : i32
    return %arg0, %c0_i32 : i32, i32
  }
  func.func @transform_1(%arg0: i32) -> (i32, i32) {
    %c0_i32 = arith.constant 0 : i32
    %c0_i32_0 = arith.constant 0 : i32
    return %arg0, %c0_i32 : i32, i32
  }
  func.func @transform_2(%arg0: i32) -> (i32, i32, i32) {
    %c0_i32 = arith.constant 0 : i32
    %c0_i32_0 = arith.constant 0 : i32
    %c0_i32_1 = arith.constant 0 : i32
    return %c0_i32, %arg0, %c0_i32_0 : i32, i32, i32
  }
  func.func @transform_3(%arg0: i32) -> (i32, i32, i32) {
    %c0_i32 = arith.constant 0 : i32
    %c0_i32_0 = arith.constant 0 : i32
    %c0_i32_1 = arith.constant 0 : i32
    return %c0_i32, %arg0, %c0_i32_0 : i32, i32, i32
  }
  func.func @transform_4(%arg0: i32) -> (i32, i32) {
    %c0_i32 = arith.constant 0 : i32
    %c0_i32_0 = arith.constant 0 : i32
    %c0_i32_1 = arith.constant 0 : i32
    return %c0_i32, %c0_i32_0 : i32, i32
  }
  func.func @transform_5(%arg0: i32) -> (i32, i32) {
    %c0_i32 = arith.constant 0 : i32
    %c0_i32_0 = arith.constant 0 : i32
    return %arg0, %c0_i32 : i32, i32
  }
  func.func @transform_6(%arg0: i32) -> (i32, i32, i32) {
    %c0_i32 = arith.constant 0 : i32
    %c0_i32_0 = arith.constant 0 : i32
    %c0_i32_1 = arith.constant 0 : i32
    return %c0_i32, %arg0, %c0_i32_0 : i32, i32, i32
  }
}

module attributes {stable_mosaic.version = 14 : i64} {
  func.func @_bn_body(%arg0: memref<10000x128xf32, #tpu.memory_space<vmem>>, %arg1: memref<1x128xf32, #tpu.memory_space<vmem>>, %arg2: memref<1x128xf32, #tpu.memory_space<vmem>>, %arg3: memref<1x128xf32, #tpu.memory_space<vmem>>, %arg4: memref<10000x128xf32, #tpu.memory_space<vmem>>) attributes {dimension_semantics = [], scalar_prefetch = 0 : i64, scratch_operands = 0 : i64, tpu.core_type = #tpu.core_type<tc>} {
    %get3A = arith.constant 0 : index
    %get3A_0 = arith.constant 0 : index
    %get3A_1 = vector.load %arg0[%get3A, %get3A_0] : memref<10000x128xf32, #tpu.memory_space<vmem>>, vector<10000x128xf32>
    %get3A_2 = arith.constant 0 : index
    %get3A_3 = arith.constant 0 : index
    %get3A_4 = vector.load %arg3[%get3A_2, %get3A_3] : memref<1x128xf32, #tpu.memory_space<vmem>>, vector<1x128xf32>
    %add3A = vector.broadcast %get3A_4 : vector<1x128xf32> to vector<10000x128xf32>
    %add3A_5 = arith.addf %get3A_1, %add3A : vector<10000x128xf32>
    %reduce_sum3A = arith.constant dense<0.000000e+00> : vector<128xf32>
    %reduce_sum3A_6 = vector.multi_reduction <add>, %add3A_5, %reduce_sum3A [0] : vector<10000x128xf32> to vector<128xf32>
    %broadcast_in_dim3A = vector.shape_cast %reduce_sum3A_6 : vector<128xf32> to vector<1x128xf32>
    %div3A = arith.constant 1.000000e+04 : f32
    %div3A_7 = vector.broadcast %div3A : f32 to vector<1x128xf32>
    %div3A_8 = arith.divf %broadcast_in_dim3A, %div3A_7 : vector<1x128xf32>
    %sub3A = vector.broadcast %div3A_8 : vector<1x128xf32> to vector<10000x128xf32>
    %sub3A_9 = arith.subf %add3A_5, %sub3A : vector<10000x128xf32>
    %sub3A_10 = vector.broadcast %div3A_8 : vector<1x128xf32> to vector<10000x128xf32>
    %sub3A_11 = arith.subf %add3A_5, %sub3A_10 : vector<10000x128xf32>
    %mul3A = arith.mulf %sub3A_9, %sub3A_11 : vector<10000x128xf32>
    %reduce_sum3A_12 = arith.constant dense<0.000000e+00> : vector<128xf32>
    %reduce_sum3A_13 = vector.multi_reduction <add>, %mul3A, %reduce_sum3A_12 [0] : vector<10000x128xf32> to vector<128xf32>
    %broadcast_in_dim3A_14 = vector.shape_cast %reduce_sum3A_13 : vector<128xf32> to vector<1x128xf32>
    %div3A_15 = arith.constant 1.000000e+04 : f32
    %div3A_16 = vector.broadcast %div3A_15 : f32 to vector<1x128xf32>
    %div3A_17 = arith.divf %broadcast_in_dim3A_14, %div3A_16 : vector<1x128xf32>
    %sub3A_18 = vector.broadcast %div3A_8 : vector<1x128xf32> to vector<10000x128xf32>
    %sub3A_19 = arith.subf %add3A_5, %sub3A_18 : vector<10000x128xf32>
    %add3A_20 = arith.constant 9.99999974E-6 : f32
    %add3A_21 = vector.broadcast %add3A_20 : f32 to vector<1x128xf32>
    %add3A_22 = arith.addf %div3A_17, %add3A_21 : vector<1x128xf32>
    %rsqrt3A = math.rsqrt %add3A_22 : vector<1x128xf32>
    %mul3A_23 = vector.broadcast %rsqrt3A : vector<1x128xf32> to vector<10000x128xf32>
    %mul3A_24 = arith.mulf %sub3A_19, %mul3A_23 : vector<10000x128xf32>
    %get3A_25 = arith.constant 0 : index
    %get3A_26 = arith.constant 0 : index
    %get3A_27 = vector.load %arg1[%get3A_25, %get3A_26] : memref<1x128xf32, #tpu.memory_space<vmem>>, vector<1x128xf32>
    %mul3A_28 = vector.broadcast %get3A_27 : vector<1x128xf32> to vector<10000x128xf32>
    %mul3A_29 = arith.mulf %mul3A_24, %mul3A_28 : vector<10000x128xf32>
    %get3A_30 = arith.constant 0 : index
    %get3A_31 = arith.constant 0 : index
    %get3A_32 = vector.load %arg2[%get3A_30, %get3A_31] : memref<1x128xf32, #tpu.memory_space<vmem>>, vector<1x128xf32>
    %add3A_33 = vector.broadcast %get3A_32 : vector<1x128xf32> to vector<10000x128xf32>
    %add3A_34 = arith.addf %mul3A_29, %add3A_33 : vector<10000x128xf32>
    %swap3A = arith.constant 0 : index
    %swap3A_35 = arith.constant 0 : index
    %swap3A_36 = vector.load %arg4[%swap3A, %swap3A_35] : memref<10000x128xf32, #tpu.memory_space<vmem>>, vector<10000x128xf32>
    tpu.vector_store %arg4[%swap3A, %swap3A_35], %add3A_34 {strides = array<i32>} : memref<10000x128xf32, #tpu.memory_space<vmem>>, vector<10000x128xf32>,
    return
  }
}

</mosaic_0001>

<sc_bundles>
// kernel: scatter_offload_async_start
scs
__scs_entry_jumppad:
0x0: {  	(pc) =	sbr.rel $0x88, $3  }
0x1: {  	(tag) =	ssettag $0x0;
	lr =	simm.s32 $0x1  }
0x2: {  	[smem:$0x3F99] =	sst lr;
	_ =	strace $0xD0000000  }
0x3: {  	_ = 	snop  }
0x4: {  	_ = 	snop  }
0x5: {  	_ = 	snop  }
0x6: {  	_ = 	snop  }
0x7: {  	_ = 	snop  }
__scs_overlays_trampoline_lowered:
0x8: {  	[smem:$0x3FA8] =	sst s0  }
0x9: {  	[smem:$0x3FA9] =	sst s1  }
0xa: {  	[smem:$0x3FAA] =	sst s2  }
0xb: {  	[smem:$0x3FAB] =	sst s3  }
0xc: {  	[smem:$0x3FAC] =	sst s4  }
0xd: {  	[smem:$0x3FAD] =	sst s5  }
0xe: {  	[smem:$0x3FAE] =	sst s6  }
0xf: {  	[smem:$0x3FAF] =	sst s7  }
0x10: {  	[smem:$0x3FB0] =	sst s8  }
0x11: {  	[smem:$0x3FB1] =	sst s9;
	s0 =	simm.s32 @!p0 $0x0  }
0x12: {  	s1 =	sld [smem:$0x3F97];
	s0 =	simm.s32 @p0 $0x1  }
0x13: {  	[smem:$0x3FB2] =	sst s0;
	s0 =	simm.s32 @!p1 $0x0  }
0x14: {  	s2 =	sld [smem:$0x3F96];
	s0 =	simm.s32 @p1 $0x1  }
0x15: {  	[smem:$0x3FB3] =	sst s0;
	s0 =	simm.s32 @!p2 $0x0  }
0x16: {  	s3 =	sld [smem:$0x3FDB];
	s0 =	simm.s32 @p2 $0x1  }
0x17: {  	s4 =	simm.s32 $0x1BF5;
	[smem:$0x3FB5] =	sst s0  }
0x18: {  	s0 =	sld [smem:$0x3F98];
	_ =	swait.ge [sflag:s4], $0x0  }
0x19: {  	s7 =	sld [smem:$0x3F99]  }
0x1a: {  	s8 =	sadd.s32 $0xFFFFE003, lr  }
0x1b: {  	s9 =	sadd.s32 $0xFFFFFEF7, lr;
	s5 =	simm.s32 $0xFFFFFFFF;
	p2 =	slt.u32 s8, $0xFFFFF086  }
0x1c: {  	p1 =	slt.u32 s9, $0xF7A;
	s5 =	simm.s32 @!p2 $0x0  }
0x1d: {  	s5 =	simm.s32 @p1 $0x1;
	p0 =	seq.s32 s7, s2  }
0x1e: {  	s7 =	smul.u32 @!p0 $0xF7A, s2;
	p2 =	seq.s32 @!p0 s5, $0x0  }
0x1f: {  	s9 =	smul.u32 $0xF7A, s1;
	s8 =	simm.s32 @!p0 $0x1BF5;
	p2 =	por !p2, p0  }
0x20: {  	[sflag:s8] =	ssyncset.s32 @!p0 $0xFFFFF086;
	s6 =	sadd.s32 @!p0 s3, s7;
	s7 =	simm.s32 @!p0 $0x108  }
0x21: {  	s3 =	sadd.s32 s3, s9;
	s6 =	sadd.s32 @!p0 $0x88, s6;
	s7 =	simm.s32 @p2 $0x1082  }
0x22: {  	[simem:s7], [sflag:s8] =	dma.local @!p0 [hbm:s6], $0xF7A  }
0x23: {  	s9 =	sor.u32 $0xD0000000, s2;
	s6 =	simm.s32 $0x108;
	_ =	swait.ge @!p0 [sflag:s8], $0x0  }
0x24: {  	s3 =	sadd.s32 $0x88, s3;
	s6 =	simm.s32 @!p1 $0x1082;
	[sflag:s4] =	ssyncset.s32 $0xFFFFF086  }
0x25: {  	[simem:s6], [sflag:s4] =	dma.local [hbm:s3], $0xF7A  }
0x26: {  	[smem:$0x3F99] =	sst s1;
	(tag) =	ssettag s2;
	_ =	strace s9  }
0x27: {  	s1 =	sld [smem:$0x3FA9]  }
0x28: {  	s2 =	sld [smem:$0x3FAA]  }
0x29: {  	s4 =	sld [smem:$0x3FAC]  }
0x2a: {  	p0 =	seq.s32 s5, $0x0;
	s5 =	sld [smem:$0x3FAD]  }
0x2b: {  	s6 =	sld [smem:$0x3FAE]  }
0x2c: {  	s7 =	sld [smem:$0x3FAF]  }
0x2d: {  	s3 =	simm.s32 $0x108;
	s8 =	sld [smem:$0x3FB0]  }
0x2e: {  	s3 =	simm.s32 @!p0 $0x1082;
	s9 =	sld [smem:$0x3FB1]  }
0x2f: {  	lr =	sadd.s32 s0, s3;
	s0 =	sld [smem:$0x3FA8]  }
0x30: {  	s3 =	sld [smem:$0x3FAB]  }
0x31: {  	[smem:$0x3FB4] =	sst s10  }
0x32: {  	s10 =	sld [smem:$0x3FB2];
	_ =	sdelay $0x3  }
0x33: {  	p0 =	seq.s32 s10, $0x1;
	s10 =	sld [smem:$0x3FB4];
	_ =	sdelay $0x3  }
0x34: {  	[smem:$0x3FB4] =	sst s10  }
0x35: {  	s10 =	sld [smem:$0x3FB3];
	_ =	sdelay $0x3  }
0x36: {  	p1 =	seq.s32 s10, $0x1;
	s10 =	sld [smem:$0x3FB4];
	_ =	sdelay $0x3  }
0x37: {  	[smem:$0x3FB4] =	sst s10  }
0x38: {  	s10 =	sld [smem:$0x3FB5]  }
0x39: {  	_ = 	snop;
	(pc) =	sbr.ind lr, $3  }
0x3a: {  	_ = 	snop  }
0x3b: {  	_ = 	snop  }
0x3c: {  	p2 =	seq.s32 s10, $0x1;
	s10 =	sld [smem:$0x3FB4]  }
0x3d: {  	_ =	shalt  }
0x3e: {  	_ =	shalt  }
0x3f: {  	_ =	shalt  }
0x40: {  	_ =	shalt  }
0x41: {  	_ =	shalt  }
0x42: {  	_ =	shalt  }
0x43: {  	_ =	shalt  }
0x44: {  	_ =	shalt  }
0x45: {  	_ =	shalt  }
0x46: {  	_ =	shalt  }
0x47: {  	_ =	shalt  }
0x48: {  	_ =	shalt  }
0x49: {  	_ =	shalt  }
0x4a: {  	_ =	shalt  }
0x4b: {  	_ =	shalt  }
0x4c: {  	_ =	shalt  }
0x4d: {  	_ =	shalt  }
0x4e: {  	_ =	shalt  }
0x4f: {  	_ =	shalt  }
0x50: {  	_ =	shalt  }
0x51: {  	_ =	shalt  }
0x52: {  	_ =	shalt  }
0x53: {  	_ =	shalt  }
0x54: {  	_ =	shalt  }
0x55: {  	_ =	shalt  }
0x56: {  	_ =	shalt  }
0x57: {  	_ =	shalt  }
0x58: {  	_ =	shalt  }
0x59: {  	_ =	shalt  }
0x5a: {  	_ =	shalt  }
0x5b: {  	_ =	shalt  }
0x5c: {  	_ =	shalt  }
0x5d: {  	_ =	shalt  }
0x5e: {  	_ =	shalt  }
0x5f: {  	_ =	shalt  }
0x60: {  	_ =	shalt  }
0x61: {  	_ =	shalt  }
0x62: {  	_ =	shalt  }
0x63: {  	_ =	shalt  }
0x64: {  	_ =	shalt  }
0x65: {  	_ =	shalt  }
0x66: {  	_ =	shalt  }
0x67: {  	_ =	shalt  }
0x68: {  	_ =	shalt  }
0x69: {  	_ =	shalt  }
0x6a: {  	_ =	shalt  }
0x6b: {  	_ =	shalt  }
0x6c: {  	_ =	shalt  }
0x6d: {  	_ =	shalt  }
0x6e: {  	_ =	shalt  }
0x6f: {  	_ =	shalt  }
0x70: {  	_ =	shalt  }
0x71: {  	_ =	shalt  }
0x72: {  	_ =	shalt  }
0x73: {  	_ =	shalt  }
0x74: {  	_ =	shalt  }
0x75: {  	_ =	shalt  }
0x76: {  	_ =	shalt  }
0x77: {  	_ =	shalt  }
0x78: {  	_ =	shalt  }
0x79: {  	_ =	shalt  }
0x7a: {  	_ =	shalt  }
0x7b: {  	_ =	shalt  }
0x7c: {  	_ =	shalt  }
0x7d: {  	_ =	shalt  }
0x7e: {  	_ =	shalt  }
0x7f: {  	_ =	shalt  }
0x80: {  	_ =	shalt  }
0x81: {  	_ =	shalt  }
0x82: {  	_ =	shalt  }
0x83: {  	_ =	shalt  }
0x84: {  	_ =	shalt  }
0x85: {  	_ =	shalt  }
0x86: {  	_ =	shalt  }
0x87: {  	_ =	shalt  }
.Lfunc_end0:
.L_simem_size_0:
called_computation_lowered:
.L_overlay_start_0:
0x88: {  	s2 =	sld [smem:$0x3FD9]  }
0x89: {  	s3 =	sld [smem:$0x3FFE];
	_ =	sdelay $0x1  }
0x8a: {  	s1 =	srdreg.scid  }
0x8b: {  	s0 =	sand.u32 $0x1, s1  }
0x8c: {  	s13 =	sshll.u32 s0, $0xA;
	s2 =	sadd.s32 s3, s2  }
0x8d: {  	s2 =	sadd.s32 s2, s13  }
0x8e: {  	[smem:$0x3FC0] =	sst s2  }
0x8f: {  	_ = 	snop  }
0x90: {  	s2 =	sld [smem:$0x3FD0];
	_ =	sdelay $0x2  }
0x91: {  	s14 =	simm.s32 $0xA;
	s4 =	simm.s32 $0x10  }
0x92: {  	[smem:s4], [sflag:s14] =	dma.local [hbm:s2], $0x1  }
0x93: {  	_ =	swait.eq [sflag:s14], $0x1  }
0x94: {  	[sflag:s14] =	ssyncset.done $0x0  }
0x95: {  	[sflag:s14] =	ssyncadd.s32 $0xFFFFFFFF  }
0x96: {  	s15 =	sld [smem:$0x12];
	(tm) =	ssettm $0x1  }
0x97: {  	s16 =	sld [smem:$0x3FFB];
	_ =	sdelay $0x3  }
0x98: {  	_ =	strace s16  }
0x99: {  	s3 =	sld [smem:$0x3FFC];
	_ =	sdelay $0x3  }
0x9a: {  	_ =	strace s3  }
0x9b: {  	s3 =	sld [smem:$0x3FFD];
	_ =	sdelay $0x3  }
0x9c: {  	_ =	strace s3  }
0x9d: {  	_ =	strace $0x8FFFFFFF  }
0x9e: {  	s17 =	sld [smem:$0x3FDB];
	_ =	sdelay $0x1  }
0x9f: {  	s18 =	simm.s32 $_scs_section_size  }
0xa0: {  	s5 =	simm.s32 $_size__tile_overlayer_lowered;
	s6 =	simm.s32 $_tile_overlayer_lowered  }
0xa1: {  	s21 =	simm.s32 $0x1BFF;
	s20 =	sshll.u32 s6, $0x1;
	s3 =	sadd.s32 s18, s17  }
0xa2: {  	s7 =	simm.s32 $0x0;
	s19 =	sshll.u32 s5, $0x1;
	s5 =	sadd.s32 s20, s3  }
0xa3: {  	[timem:s7], [sflag:s21] =	dma.local [hbm:s5], s19  }
0xa4: {  	_ =	swait.ge [sflag:s21], s19  }
0xa5: {  	s4 =	ssub.s32 $0x0, s19;
	[sflag:s21] =	ssyncset.done $0x0  }
0xa6: {  	[sflag:s21] =	ssyncadd.s32 s4;
	_ =	sdelay $0x1  }
0xa7: {  	s22 =	simm.s32 $0x1B8B  }
0xa8: {  	_ =	swait.ge [sflag:s22], $0x1  }
0xa9: {  	[sflag:s22] =	ssyncset.done $0x0  }
0xaa: {  	s23 =	sld [smem:$0x3FFE];
	[sflag:s22] =	ssyncadd.s32 $0xFFFFFFFF  }
0xab: {  	s25 =	simm.s32 $0x1B8E;
	s24 =	sld [smem:$0x0]  }
0xac: {  	s26 =	simm.s32 $execute0_lowered;
	[smem:$0x3FD2] =	sst s25  }
0xad: {  	s6 =	sshll.u32 s26, $0x1;
	_ =	strace $0x80000046;
	[dreg:$0x1] =	wrdreg $0xFFFFFFFF  }
0xae: {  	s28 =	simm.s32 $_size_execute0_lowered;
	s3 =	sadd.s32 s3, s6;
	[dreg:$0x0] =	wrdreg $0x0  }
0xaf: {  	s6 =	sshll.u32 s28, $0x1;
	[dreg:$0x2] =	wrdreg s3  }
0xb0: {  	[dreg:$0x3] =	wrdreg s6  }
0xb1: {  	[dreg:$0x4] =	wrdreg $0xC0  }
0xb2: {  	_ =	task [dreg:s7], $0x5FFFF  }
0xb3: {  	[dreg:$0x1] =	wrdreg $0xFFFFFFFF  }
0xb4: {  	[dreg:$0x0] =	wrdreg $0x60  }
0xb5: {  	[dreg:$0x2] =	wrdreg s15  }
0xb6: {  	[dreg:$0x3] =	wrdreg s23  }
0xb7: {  	[dreg:$0x4] =	wrdreg s1  }
0xb8: {  	[dreg:$0x5] =	wrdreg s24  }
0xb9: {  	[dreg:$0x6] =	wrdreg $0x9  }
0xba: {  	_ =	task.clear_ibuf [dreg:s7], $0x7FFFF;
	_ =	strace $0x90000046  }
0xbb: {  	s29 =	simm.s32 $0x9;
	_ =	strace $0x80000048  }
0xbc: {  	_ =	swait.ge [sflag:s29], $0x1  }
0xbd: {  	[sflag:s29] =	ssyncadd.s32 $0xFFFFFFFF  }
0xbe: {  	_ =	strace $0x90000048  }
0xbf: {  	_ =	sfence  }
0xc0: {  	s30 =	sld [smem:$0x0];
	_ =	sdelay $0x2  }
0xc1: {  	s31 =	sshll.u32 s1, $0xD;
	s1 =	sshrl.u32 s1, $0x2  }
0xc2: {  	s3 =	sand.u32 $0x4000, s31;
	s1 =	sadd.s32 s1, s30  }
0xc3: {  	s0 =	sor.u32 s3, s0;
	s1 =	sshll.u32 s1, $0x11  }
0xc4: {  	s0 =	sor.u32 s1, s0  }
0xc5: {  	s0 =	sadd.s32 $0x8F2B, s0  }
0xc6: {  	[sflag:s0] =	ssyncadd.remote.s32 $0x1  }
0xc7: {  	_ =	sfence.sel $0xFFFF  }
0xc8: {  	[dreg:$0x0] =	wrdreg $0xFFFFFFFF;
	(pc) =	sbr.abs _section_cstart, $3  }
0xc9: {  	[dreg:$0x1] =	wrdreg $0xFFFFFFFF  }
0xca: {  	_ =	task.clear_ibuf [dreg:s7], $0x2FFFF;
	_ =	strace $0x9FFFFFFF  }
0xcb: {  	(tm) =	ssettm $0x7FFFFFFF  }
tec
execute0_lowered:
.L_overlay_start_1:
0x0: {  	(tag) =	ssettag $0x1  }
0x1: {  	s1 =	rddreg [dreg:$0x0]  }
0x2: {  	s2 =	rddreg [dreg:$0x1]  }
0x3: {  	s3 =	rddreg [dreg:$0x2];
	_ =	strace $0x80000047;
	s0 =	simm.s32 $0x1  }
0x4: {  	v0 =	vimm.s32 $0x0;
	[sflag:s0] =	ssyncpa.u1 $0x0;
	s0 =	simm.s32 $0x108  }
0x5: {  	[tilespmem:s0+$0x70] =	vst v0  }
0x6: {  	[tilespmem:s0+$0x60] =	vst v0  }
0x7: {  	[tilespmem:s0+$0x50] =	vst v0  }
0x8: {  	[tilespmem:s0+$0x40] =	vst v0  }
0x9: {  	[tilespmem:s0+$0x30] =	vst v0  }
0xa: {  	s15 =	sadd.s32 $0x50B800, s2;
	s6 =	sadd.s32 $0x515800, s2;
	[tilespmem:s0+$0x20] =	vst v0  }
0xb: {  	s14 =	sadd.s32 $0x510800, s2;
	s5 =	sand.u32 $0x1, s3;
	s3 =	simm.s32 $0x40;
	[tilespmem:s0+$0x10] =	vst v0  }
.LBB2_1:
0xc: {  	s3 =	sadd.s32 $0x40, s3;
	[tilespmem:s0+$0x0] =	vst v0;
	s0 =	sadd.s32 $0x80, s0  }
0xd: {  	p0 =	slt.u32 s3, $0x3C40;
	[tilespmem:s0+$0x70] =	vst v0  }
0xe: {  	[tilespmem:s0+$0x60] =	vst v0  }
.Ltmp0:
0xf: {  	[tilespmem:s0+$0x50] =	vst v0;
	(pc) =	sbr.rel @p0 .LBB2_1-.Ltmp0, $4  }
0x10: {  	[tilespmem:s0+$0x40] =	vst v0  }
0x11: {  	[tilespmem:s0+$0x30] =	vst v0  }
0x12: {  	[tilespmem:s0+$0x20] =	vst v0  }
0x13: {  	[tilespmem:s0+$0x10] =	vst v0  }
0x14: {  	s9 =	stileid.u32  }
0x15: {  	s2 =	smul.u32 $0x14, s9  }
0x16: {  	s3 =	smin.u32 s9, $0xE  }
0x17: {  	s2 =	sadd.s32 s3, s2  }
0x18: {  	p0 =	slt.u32 s9, $0xE;
	s7 =	smul.u32 $0xF0, s2;
	s2 =	simm.s32 $0x13B0  }
0x19: {  	s2 =	simm.s32 @!p0 $0x12C0  }
0x1a: {  	s2 =	sadd.s32 s2, s7  }
0x1b: {  	s8 =	smin.u32 s2, $0x13880  }
0x1c: {  	s2 =	ssub.s32 s8, s7  }
0x1d: {  	p0 =	sgt.s32 s2, $0x0  }
0x1e: {  	s29 =	simm.s32 $0x2;
	s10 =	simm.s32 $0x9;
	s2 =	simm.s32 @!p0 $0x0  }
0x1f: {  	s4 =	simm.s32 $0xA;
	s11 =	simm.s32 $0xB;
	s28 =	smulhi.u32 $0x88888889, s2  }
0x20: {  	[dreg:$0x5] =	wrdreg s5;
	s31 =	smul.u32 $0x2710, s5;
	s12 =	simm.s32 $0x1  }
0x21: {  	s22 =	simm.s32 $0x0;
	s18 =	simm.s32 $0xC;
	s30 =	sshrl.u32 s28, $0x7  }
0x22: {  	s20 =	simm.s32 $0x0;
	s21 =	simm.s32 $0x0;
	s3 =	smul.u32 $0xF0, s30  }
.Ltmp1:
0x23: {  	[tilespmem:s0+$0x0] =	vst v0;
	v0 =	vimm.s32 $0xFFFFFFFF;
	[sflag:s29] =	ssyncpa.u1 $0x0;
	s16 =	sshll.u32 s9, $0x8;
	(pc) =	sbr.rel .LBB2_3-.Ltmp1, $4  }
0x24: {  	[tilespmem:$0xF208] =	vst v0;
	[sflag:s10] =	ssyncpa.u1 $0x0;
	p0 =	sne.s32 s2, s3;
	s2 =	simm.s32 $0x1  }
0x25: {  	s14 =	sadd.s32 s31, s14;
	[sflag:s4] =	ssyncpa.u1 $0x0;
	s2 =	simm.s32 @!p0 $0x0  }
0x26: {  	s15 =	sadd.s32 s31, s15;
	[sflag:s11] =	ssyncpa.u1 $0x0;
	s13 =	sadd.s32 s2, s30  }
0x27: {  	v0 =	vlaneseq.u32;
	s19 =	smov.u32 s7;
	p0 =	por $0x0, $0x0;
	s17 =	sadd.s32 $0x1, s13  }
.LBB2_18:
0x28: {  	s0 =	sshrl.u32 s31, $0x2  }
.LBB2_20:
0x29: {  	_ =	swait.ge [sflag:s18], s0  }
0x2a: {  	s31 =	ssub.s32 $0x0, s0;
	v1 =	vmov s24;
	vm0 =	veq.s32 v0, $0x0;
	[sflag:s18] =	ssyncset.done $0x0  }
0x2b: {  	vm15 =	veq.s32 v0, $0x2;
	v1 =	vsel vm0, s30, v1;
	[sflag:s18] =	ssyncadd.s32 s31  }
0x2c: {  	v1 =	vsel vm15, s22, v1;
	[sflag:s18] =	ssyncpa.u1 $0x1  }
0x2d: {  	[tilespmem:$0xF208] =	vst v1  }
.LBB2_21:
0x2e: {  	s0 =	sadd.s32 $0xF0, s19  }
0x2f: {  	s2 =	smov.u32 s7;
	p1 =	slt.s32 s0, s8  }
0x30: {  	s2 =	smov.u32 @p1 s0;
	p1 =	sne.s32 s21, s17  }
.Ltmp2:
0x31: {  	_ = 	snop;
	(pc) =	sbr.rel @!p1 .LBB2_22-.Ltmp2, $3  }
0x32: {  	_ =	sdelay $0x1  }
0x33: {  	s22 =	smov.u32 s20;
	s31 =	sadd.s32 $0x1, s21;
	s20 =	smov.u32 s19  }
0x34: {  	p0 =	por !p0, !p0;
	s21 =	smov.u32 s31;
	s19 =	smov.u32 s2  }
.LBB2_3:
0x35: {  	p1 =	sge.u32 s21, s13  }
0x36: {  	s0 =	smulhi.u32 @!p1 $0xAAAAAAAB, s21  }
0x37: {  	s2 =	smov.u32 s19;
	p2 =	sgt.s32 @!p1 s19, $0x13790  }
0x38: {  	s3 =	sshra.s32 @!p1 s19, $0x1F;
	p2 =	por !p2, p1;
	s0 =	sshrl.u32 @!p1 s0, $0x1  }
0x39: {  	s3 =	sand.u32 @!p1 s3, s19;
	s2 =	simm.s32 @p2 $0x13790;
	s0 =	smul.u32 @!p1 $0x3, s0  }
0x3a: {  	s2 =	ssub.s32 @!p1 s2, s3  }
0x3b: {  	s2 =	sadd.s32 @!p1 $0xFFFEC870, s2;
	s0 =	ssub.s32 @!p1 s21, s0  }
0x3c: {  	s3 =	sshll.u32 @!p1 s2, $0x2;
	p2 =	sgt.s32 @!p1 s2, $0xEF;
	s0 =	smul.u32 @!p1 $0x3C0, s0  }
0x3d: {  	s4 =	sand.u32 @!p1 $0x7, s19;
	s2 =	ssub.s32 @!p1 $0x3C0, s3;
	p2 =	por !p2, p1  }
0x3e: {  	s3 =	sshrl.u32 @!p1 s19, $0x3;
	s2 =	sshrl.u32 @!p1 s2, $0x2;
	s0 =	sshrl.u32 @!p1 s0, $0x2  }
0x3f: {  	s3 =	sadd.s32 @!p1 s3, s14;
	s2 =	simm.s32 @!p2 $0x0;
	s0 =	sadd.s32 @!p1 $0x10248, s0  }
0x40: {  	[tilespmem:s0], [sflag:$0xA] =	stream.linear.gather @!p1 [hbm4b:s3+s4], s2, $0x38;
	[tilespmem:$0x1F6F8] =	vst v63  }
0x41: {  	s0 =	sadd.s32 $0xFFFFFFFF, s21  }
0x42: {  	p1 =	sge.u32 s0, s13  }
0x43: {  	p2 =	sgt.s32 @!p1 s20, $0x13790  }
0x44: {  	s2 =	smov.u32 s20;
	s3 =	sshra.s32 @!p1 s20, $0x1F;
	p2 =	por !p2, p1  }
0x45: {  	s3 =	sand.u32 @!p1 s3, s20;
	s2 =	simm.s32 @p2 $0x13790  }
0x46: {  	s2 =	ssub.s32 @!p1 s2, s3  }
0x47: {  	s2 =	sadd.s32 @!p1 $0xFFFEC870, s2  }
0x48: {  	s4 =	sand.u32 @!p1 $0x1, s0;
	s3 =	sshll.u32 @!p1 s2, $0x2  }
0x49: {  	p2 =	sgt.s32 @!p1 s2, $0xEF;
	s2 =	ssub.s32 @!p1 $0x3C0, s3;
	s3 =	smulhi.u32 @!p1 $0xAAAAAAAB, s0  }
0x4a: {  	s23 =	smul.u32 @!p1 $0x3C0, s4;
	p2 =	por !p2, p1;
	s2 =	sshrl.u32 @!p1 s2, $0x2  }
0x4b: {  	s5 =	simm.s32 @!p1 $0xA;
	s2 =	simm.s32 @!p2 $0x0;
	s3 =	sshrl.u32 @!p1 s3, $0x1  }
0x4c: {  	s23 =	sshrl.u32 @!p1 s23, $0x2;
	_ =	swait.ge @!p1 [sflag:s5], s2;
	s3 =	smul.u32 @!p1 $0x3, s3  }
0x4d: {  	s23 =	sadd.s32 @!p1 $0x10518, s23;
	s24 =	ssub.s32 @!p1 $0x0, s2;
	[sflag:s5] =	ssyncset.done @!p1 $0x0  }
0x4e: {  	[sflag:s5] =	ssyncadd.s32 @!p1 s24;
	s5 =	sshrl.u32 @!p1 s20, $0x3;
	s0 =	ssub.s32 @!p1 s0, s3  }
0x4f: {  	s24 =	sand.u32 @!p1 $0x7, s20;
	s5 =	sadd.s32 @!p1 s5, s15;
	s0 =	smul.u32 @!p1 $0x3C0, s0  }
0x50: {  	[tilespmem:s23], [sflag:$0xB] =	stream.linear.gather @!p1 [hbm4b:s5+s24], s2, $0x38;
	[tilespmem:$0x1F6F8] =	vst v63  }
0x51: {  	s3 =	ssub.s32 @!p1 $0x13880, s20;
	s2 =	smul.u32 @!p1 $0x1E000, s4  }
0x52: {  	p2 =	slt.s32 @!p1 s3, $0xF0  }
0x53: {  	p2 =	por !p2, p1;
	s0 =	sshrl.u32 @!p1 s0, $0x2;
	s2 =	sshrl.u32 @!p1 s2, $0x2  }
0x54: {  	s3 =	simm.s32 @p2 $0xF0;
	s0 =	sadd.s32 @!p1 $0x10248, s0;
	s2 =	sor.u32 @!p1 $0x106F8, s2  }
0x55: {  	[tilespmem:s2], [sflag:$0x9] =	stream.indirect.gather @!p1 [hbm4b:s6+s3], $0x80, s0, s3, $0xb8;
	[tilespmem:$0x1F6F8] =	vst v63  }
0x56: {  	p1 =	slt.u32 s21, $0x2  }
.Ltmp3:
0x57: {  	_ = 	snop;
	(pc) =	sbr.rel @p1 .LBB2_21-.Ltmp3, $1  }
0x58: {  	_ =	sdelay $0x3  }
0x59: {  	p1 =	sgt.s32 s22, $0x13790  }
0x5a: {  	s0 =	smov.u32 s22;
	s2 =	sshra.s32 s22, $0x1F;
	s3 =	ssub.s32 $0x13880, s22  }
0x5b: {  	s0 =	simm.s32 @!p1 $0x13790;
	s2 =	sand.u32 s2, s22;
	p1 =	slt.s32 s3, $0xF0  }
0x5c: {  	s0 =	ssub.s32 s0, s2;
	s3 =	simm.s32 @!p1 $0xF0  }
0x5d: {  	s0 =	sadd.s32 $0xFFFEC870, s0;
	s25 =	sshll.u32 s3, $0x7  }
0x5e: {  	s26 =	sshll.u32 s0, $0x2;
	s2 =	sand.u32 $0x3FFFFF80, s25  }
0x5f: {  	p1 =	sgt.s32 s0, $0xEF;
	s29 =	ssub.s32 $0x3C0, s26;
	_ =	swait.ge [sflag:s10], s2  }
0x60: {  	s2 =	ssub.s32 $0x0, s2;
	[sflag:s10] =	ssyncset.done $0x0;
	s0 =	sshrl.u32 s29, $0x2  }
0x61: {  	[sflag:s10] =	ssyncadd.s32 s2;
	s0 =	simm.s32 @p1 $0x0  }
0x62: {  	_ =	swait.ge [sflag:s11], s0  }
0x63: {  	s0 =	ssub.s32 $0x0, s0;
	[sflag:s11] =	ssyncset.done $0x0  }
0x64: {  	[sflag:s11] =	ssyncadd.s32 s0  }
0x65: {  	v1 =	vld [tilespmem:$0xF208];
	_ =	sdelay $0x4  }
0x66: {  	(v2sf) =	vpush v1, $0x0  }
0x67: {  	(v2sf) =	vpush v1, $0x1  }
0x68: {  	(v2sf) =	vpush v1, $0x2;
	_ =	sdelay $0x3  }
0x69: {  	s0 =	sadd.s32 $0xF0, s22  }
0x6a: {  	s2 =	ssub.s32 $0x27100, s22;
	p1 =	slt.s32 s8, s0  }
0x6b: {  	s0 =	smov.u32 @p1 s8;
	p1 =	sgt.s32 s2, $0x0  }
0x6c: {  	s26 =	ssub.s32 s0, s22;
	s2 =	simm.s32 @!p1 $0x0  }
0x6d: {  	p1 =	slt.s32 s2, s26  }
0x6e: {  	s26 =	smov.u32 @p1 s2  }
0x6f: {  	s25 =	simm.s32 $0x1;
	p1 =	slt.s32 s26, $0x1  }
.Ltmp4:
0x70: {  	s25 =	simm.s32 @!p0 $0x0;
	(pc) =	sbr.rel @p1 .LBB2_8-.Ltmp4, $4  }
0x71: {  	s31 =	smul.u32 $0x3C0, s25  }
0x72: {  	s28 =	spop (v2sf)  }
0x73: {  	s0 =	sshrl.u32 s31, $0x2;
	s30 =	spop (v2sf)  }
0x74: {  	s23 =	sadd.s32 $0x10518, s0;
	s22 =	spop (v2sf)  }
0x75: {  	s0 =	smin.u32 s26, $0x10  }
0x76: {  	v1 =	vmov s0  }
0x77: {  	p2 =	sgt.s32 s26, $0x10;
	vm1 =	vgt.u32 v1, v0  }
.Ltmp5:
0x78: {  	_ = 	snop;
	(pc) =	sbr.rel @!p2 .LBB2_7-.Ltmp5, $2  }
0x79: {  	_ =	sdelay $0x2  }
0x7a: {  	s4 =	simm.s32 $0x10;
	s24 =	sadd.s32 $0xFFFFFFF0, s26;
	s0 =	smov.u32 s23;
	vm0 =	vmmov vm1  }
.LBB2_6:
0x7b: {  	s2 =	smin.u32 s24, $0x10;
	s4 =	sadd.s32 $0x10, s4;
	v1 =	vld.msk [tilespmem:s0+$0x0 ss:$0x1], vm1  }
0x7c: {  	v2 =	vmov s2;
	p2 =	slt.s32 s4, s26  }
0x7d: {  	vm1 =	vgt.u32 v2, v0  }
.Ltmp6:
0x7e: {  	(pc) =	sbr.rel @p2 .LBB2_6-.Ltmp6, $3  }
0x7f: {  	_ =	sdelay $0x1  }
0x80: {  	v1 =	vshll.u32 v1, $0x4  }
0x81: {  	s24 =	sadd.s32 $0xFFFFFFF0, s24;
	[tilespmem:s0+$0x0] =	vst.msk vm0, v1;
	s0 =	sadd.s32 $0x10, s0;
	vm0 =	vmmov vm1  }
.LBB2_7:
0x82: {  	_ =	sdelay $0x4  }
0x83: {  	v1 =	vld.msk [tilespmem:s0+$0x0 ss:$0x1], vm1;
	_ =	sdelay $0x4  }
0x84: {  	v1 =	vshll.u32 v1, $0x4  }
0x85: {  	[tilespmem:s0+$0x0] =	vst.msk vm0, v1  }
.LBB2_8:
0x86: {  	s0 =	sand.u32 $0x1, s21  }
0x87: {  	s2 =	smul.u32 $0x7800, s0  }
0x88: {  	p2 =	sne.s32 s30, $0xFFFFFFFF  }
0x89: {  	v1 =	vld @!p2 [tilespmem:s2+$0x106F8];
	_ =	sdelay $0x2  }
0x8a: {  	s0 =	smul.u32 $0xF0, s0;
	_ =	sdelay $0x1  }
0x8b: {  	v2 =	vld.msk @!p2 [tilespmem:s0+$0x10518], $0x1;
	[tilespmem:$0x108] =	vst @!p2 v1  }
0x8c: {  	v1 =	vld @!p2 [tilespmem:s2+$0x10708];
	_ =	sdelay $0x4  }
0x8d: {  	[tilespmem:$0x118] =	vst @!p2 v1  }
0x8e: {  	v1 =	vld @!p2 [tilespmem:s2+$0x10718];
	_ =	sdelay $0x4  }
0x8f: {  	[tilespmem:$0x128] =	vst @!p2 v1  }
0x90: {  	v1 =	vld @!p2 [tilespmem:s2+$0x10728];
	_ =	sdelay $0x4  }
0x91: {  	[tilespmem:$0x138] =	vst @!p2 v1  }
0x92: {  	v1 =	vld @!p2 [tilespmem:s2+$0x10738];
	_ =	sdelay $0x4  }
0x93: {  	[tilespmem:$0x148] =	vst @!p2 v1  }
0x94: {  	(v2sf) =	vpush @!p2 v2, $0x0;
	v1 =	vld @!p2 [tilespmem:s2+$0x10748];
	_ =	sdelay $0x4  }
0x95: {  	[tilespmem:$0x158] =	vst @!p2 v1  }
0x96: {  	v1 =	vld @!p2 [tilespmem:s2+$0x10758];
	_ =	sdelay $0x4  }
0x97: {  	[tilespmem:$0x168] =	vst @!p2 v1  }
0x98: {  	v1 =	vld @!p2 [tilespmem:s2+$0x10768]  }
.Ltmp7:
0x99: {  	_ = 	snop;
	(pc) =	sbr.rel @p1 .LBB2_19-.Ltmp7, $4  }
0x9a: {  	_ = 	snop  }
0x9b: {  	s29 =	spop @!p2 (v2sf)  }
0x9c: {  	s22 =	simm.s32 @!p2 $0x0;
	s24 =	smov.u32 s29  }
0x9d: {  	s29 =	smov.u32 @p2 s28;
	s24 =	smov.u32 @p2 s30;
	[tilespmem:$0x178] =	vst @!p2 v1;
	[sflag:s18] =	ssyncpa.u1 $0x0  }
0x9e: {  	v1 =	vld.msk [tilespmem:s23+$0x0], $0x1;
	_ =	sdelay $0x4  }
0x9f: {  	(v2sf) =	vpush v1, $0x0;
	_ =	sdelay $0xe  }
0xa0: {  	s2 =	smul.u32 $0x1E000, s25;
	s0 =	spop (v2sf)  }
0xa1: {  	s26 =	ssub.s32 $0x0, s26;
	p1 =	seq.s32 s29, s0  }
0xa2: {  	s30 =	sadd.s32 $0x1, s26;
	s2 =	sshrl.u32 s2, $0x2;
	p2 =	sgt.s32 @!p1 s29, $0x0  }
0xa3: {  	s25 =	sor.u32 $0x10738, s2;
	s2 =	smov.u32 s29;
	p2 =	por !p2, p1  }
0xa4: {  	s2 =	simm.s32 @p2 $0x0;
	p2 =	seq.s32 s30, $0x0  }
.Ltmp8:
0xa5: {  	_ = 	snop;
	(pc) =	sbr.rel @p2 .LBB2_11-.Ltmp8, $4  }
0xa6: {  	_ = 	snop  }
0xa7: {  	s28 =	simm.s32 $0x0;
	s31 =	sadd.s32 $0x1, s23;
	s2 =	smin.u32 @!p1 s2, $0x270F0  }
0xa8: {  	s4 =	simm.s32 @!p1 $0x1;
	s5 =	simm.s32 @!p1 $0x7988;
	s3 =	sand.u32 @!p1 $0x3FFF8, s2  }
0xa9: {  	s4 =	smov.u32 @p1 s28;
	s2 =	sand.u32 @!p1 $0x7, s2;
	s3 =	sadd.s32 @!p1 s1, s3  }
.LBB2_10:
0xaa: {  	s9 =	smov.u32 s4  }
0xab: {  	[tilespmem:s5], [sflag:$0x2] =	stream.linear.gather @!p1 [hbm4b:s3+s2], $0x80, $0x38;
	[tilespmem:$0x1F6F8] =	vst v63  }
0xac: {  	s30 =	sadd.s32 $0x1, s30;
	s2 =	smov.u32 s0;
	v1 =	vld.msk [tilespmem:s31+$0x0], $0x1  }
0xad: {  	p2 =	seq.s32 s30, $0x0;
	_ =	sdelay $0x3  }
0xae: {  	(v2sf) =	vpush v1, $0x0;
	_ =	sdelay $0xe  }
0xaf: {  	s0 =	spop (v2sf)  }
0xb0: {  	p1 =	seq.s32 s2, s0  }
0xb1: {  	p3 =	sgt.s32 @!p1 s2, $0x0;
	s3 =	sshll.u32 @!p1 s4, $0x9;
	s4 =	sadd.s32 @!p1 $0x1, s4  }
.Ltmp9:
0xb2: {  	p3 =	por !p3, p1;
	s3 =	sshra.s32 @!p1 s3, $0x2;
	(pc) =	sbr.rel @!p2 .LBB2_10-.Ltmp9, $4  }
0xb3: {  	s4 =	smov.u32 @p1 s9;
	s2 =	simm.s32 @p3 $0x0;
	s5 =	sadd.s32 @!p1 $0x7988, s3  }
0xb4: {  	s2 =	smin.u32 @!p1 s2, $0x270F0  }
0xb5: {  	s3 =	sand.u32 @!p1 $0x3FFF8, s2;
	s2 =	sand.u32 @!p1 $0x7, s2  }
0xb6: {  	s31 =	sadd.s32 $0x1, s31;
	s3 =	sadd.s32 @!p1 s1, s3  }
.LBB2_11:
0xb7: {  	[tilespmem:s5], [sflag:$0x2] =	stream.linear.gather @!p1 [hbm4b:s3+s2], $0x80, $0x38;
	[tilespmem:$0x1F6F8] =	vst v63  }
.Ltmp10:
0xb8: {  	s0 =	sshll.u32 s4, $0x7;
	(pc) =	sbr.rel .LBB2_12-.Ltmp10, $4  }
0xb9: {  	s30 =	simm.s32 $0x2;
	s0 =	sand.u32 $0x3FFFFF80, s0  }
0xba: {  	_ =	swait.ge [sflag:s30], s0  }
0xbb: {  	s0 =	ssub.s32 $0x0, s0;
	[sflag:s30] =	ssyncset.done $0x0  }
0xbc: {  	s31 =	simm.s32 $0x0;
	[sflag:s30] =	ssyncadd.s32 s0  }
.LBB2_13:
0xbd: {  	s0 =	sshra.s32 s0, $0x2;
	v1 =	vld [tilespmem:s25+$0xFFFFFFC0]  }
0xbe: {  	v2 =	vld [tilespmem:s0+$0x108];
	_ =	sdelay $0x4  }
0xbf: {  	v1 =	vmax.f32 v1, v2  }
0xc0: {  	v2 =	vld [tilespmem:s0+$0x118];
	[tilespmem:s0+$0x108] =	vst v1  }
0xc1: {  	v1 =	vld [tilespmem:s25+$0xFFFFFFD0];
	_ =	sdelay $0x4  }
0xc2: {  	v1 =	vmax.f32 v1, v2  }
0xc3: {  	v2 =	vld [tilespmem:s0+$0x128];
	[tilespmem:s0+$0x118] =	vst v1  }
0xc4: {  	v1 =	vld [tilespmem:s25+$0xFFFFFFE0];
	_ =	sdelay $0x4  }
0xc5: {  	v1 =	vmax.f32 v1, v2  }
0xc6: {  	v2 =	vld [tilespmem:s0+$0x138];
	[tilespmem:s0+$0x128] =	vst v1  }
0xc7: {  	v1 =	vld [tilespmem:s25+$0xFFFFFFF0];
	_ =	sdelay $0x4  }
0xc8: {  	v1 =	vmax.f32 v1, v2  }
0xc9: {  	v2 =	vld [tilespmem:s0+$0x148];
	[tilespmem:s0+$0x138] =	vst v1  }
0xca: {  	v1 =	vld [tilespmem:s25+$0x0];
	_ =	sdelay $0x4  }
0xcb: {  	v1 =	vmax.f32 v1, v2  }
0xcc: {  	v2 =	vld [tilespmem:s0+$0x158];
	[tilespmem:s0+$0x148] =	vst v1  }
0xcd: {  	v1 =	vld [tilespmem:s25+$0x10];
	_ =	sdelay $0x4  }
0xce: {  	v1 =	vmax.f32 v1, v2  }
0xcf: {  	v2 =	vld [tilespmem:s0+$0x168];
	[tilespmem:s0+$0x158] =	vst v1  }
0xd0: {  	v1 =	vld [tilespmem:s25+$0x20];
	_ =	sdelay $0x4  }
0xd1: {  	v1 =	vmax.f32 v1, v2  }
0xd2: {  	v2 =	vld [tilespmem:s0+$0x178];
	[tilespmem:s0+$0x168] =	vst v1  }
0xd3: {  	v1 =	vld [tilespmem:s25+$0x30];
	_ =	sdelay $0x4  }
0xd4: {  	v1 =	vmax.f32 v1, v2  }
0xd5: {  	[tilespmem:s0+$0x178] =	vst v1  }
.LBB2_17:
0xd6: {  	s26 =	sadd.s32 $0x1, s26  }
0xd7: {  	p1 =	seq.s32 s26, $0x0  }
.Ltmp11:
0xd8: {  	_ = 	snop;
	(pc) =	sbr.rel @p1 .LBB2_18-.Ltmp11, $2  }
0xd9: {  	_ =	sdelay $0x2  }
0xda: {  	s23 =	sadd.s32 $0x1, s23;
	s25 =	sadd.s32 $0x80, s25;
	s29 =	smov.u32 s30  }
.LBB2_12:
0xdb: {  	v1 =	vld.msk [tilespmem:s23+$0x0], $0x1;
	_ =	sdelay $0x4  }
0xdc: {  	(v2sf) =	vpush v1, $0x0;
	_ =	sdelay $0xe  }
0xdd: {  	s30 =	spop (v2sf)  }
0xde: {  	p1 =	sne.s32 s29, s30  }
.Ltmp12:
0xdf: {  	_ = 	snop;
	(pc) =	sbr.rel @!p1 .LBB2_13-.Ltmp12, $2  }
0xe0: {  	_ =	sdelay $0x2  }
0xe1: {  	s0 =	sshll.u32 s22, $0x9  }
0xe2: {  	p1 =	seq.s32 s29, s24  }
.Ltmp13:
0xe3: {  	_ = 	snop;
	(pc) =	sbr.rel @!p1 .LBB2_15-.Ltmp13, $1  }
0xe4: {  	_ =	sdelay $0x3  }
0xe5: {  	s0 =	sshra.s32 s0, $0x2  }
.Ltmp14:
0xe6: {  	s0 =	sadd.s32 $0x108, s0;
	(pc) =	sbr.rel .LBB2_16-.Ltmp14, $4  }
0xe7: {  	[spmem:s16] =	stream.linear.scatter [tilespmem:s0], [sflag:$0x1], $0x80, $0x38;
	[tilespmem:$0x1F6F8] =	vst v63  }
0xe8: {  	_ =	swait.ge [sflag:s12], $0x80  }
0xe9: {  	[sflag:s12] =	ssyncset.done $0x0  }
0xea: {  	[sflag:s12] =	ssyncadd.s32 $0xFFFFFF80  }
.LBB2_15:
0xeb: {  	s2 =	sshll.u32 s28, $0x9;
	s0 =	sshra.s32 s0, $0x2  }
0xec: {  	s2 =	sshra.s32 s2, $0x2;
	v2 =	vld [tilespmem:s0+$0x108]  }
0xed: {  	v1 =	vld [tilespmem:s2+$0x7988];
	_ =	sdelay $0x4  }
0xee: {  	v1 =	vmax.f32 v1, v2  }
0xef: {  	v2 =	vld [tilespmem:s0+$0x118];
	[tilespmem:s0+$0x108] =	vst v1  }
0xf0: {  	v1 =	vld [tilespmem:s2+$0x7998];
	_ =	sdelay $0x4  }
0xf1: {  	v1 =	vmax.f32 v1, v2  }
0xf2: {  	v2 =	vld [tilespmem:s0+$0x128];
	[tilespmem:s0+$0x118] =	vst v1  }
0xf3: {  	v1 =	vld [tilespmem:s2+$0x79A8];
	_ =	sdelay $0x4  }
0xf4: {  	v1 =	vmax.f32 v1, v2  }
0xf5: {  	v2 =	vld [tilespmem:s0+$0x138];
	[tilespmem:s0+$0x128] =	vst v1  }
0xf6: {  	v1 =	vld [tilespmem:s2+$0x79B8];
	_ =	sdelay $0x4  }
0xf7: {  	v1 =	vmax.f32 v1, v2  }
0xf8: {  	v2 =	vld [tilespmem:s0+$0x148];
	[tilespmem:s0+$0x138] =	vst v1  }
0xf9: {  	v1 =	vld [tilespmem:s2+$0x79C8];
	_ =	sdelay $0x4  }
0xfa: {  	v1 =	vmax.f32 v1, v2  }
0xfb: {  	v2 =	vld [tilespmem:s0+$0x158];
	[tilespmem:s0+$0x148] =	vst v1  }
0xfc: {  	v1 =	vld [tilespmem:s2+$0x79D8];
	_ =	sdelay $0x4  }
0xfd: {  	v1 =	vmax.f32 v1, v2  }
0xfe: {  	v2 =	vld [tilespmem:s0+$0x168];
	[tilespmem:s0+$0x158] =	vst v1  }
0xff: {  	v1 =	vld [tilespmem:s2+$0x79E8];
	_ =	sdelay $0x4  }
0x100: {  	v1 =	vmax.f32 v1, v2  }
0x101: {  	v2 =	vld [tilespmem:s0+$0x178];
	[tilespmem:s0+$0x168] =	vst v1  }
0x102: {  	v1 =	vld [tilespmem:s2+$0x79F8];
	_ =	sdelay $0x3  }
0x103: {  	p1 =	sgt.u32 s29, $0x270F0  }
0x104: {  	s2 =	sand.u32 @!p1 $0x3FFF8, s29;
	v1 =	vmax.f32 v1, v2  }
0x105: {  	s3 =	sadd.s32 $0x108, s0;
	[tilespmem:s0+$0x178] =	vst v1;
	s0 =	sadd.s32 @!p1 s1, s2;
	s2 =	sand.u32 @!p1 $0x7, s29  }
0x106: {  	[hbm4b:s0+s2] =	stream.linear.scatter @!p1 [tilespmem:s3], [sflag:$0xC], $0x80, $0x38;
	[tilespmem:$0x1F6F8] =	vst v63  }
0x107: {  	s0 =	simm.s32 $0x0  }
0x108: {  	s0 =	simm.s32 @!p1 $0x200  }
0x109: {  	s31 =	sadd.s32 s0, s31  }
.LBB2_16:
0x10a: {  	s0 =	sadd.s32 $0x1, s22  }
0x10b: {  	s2 =	smulhi.u32 $0x88888889, s0;
	_ =	sdelay $0x1  }
0x10c: {  	v1 =	vld [tilespmem:s25+$0xFFFFFFC0];
	s2 =	sshrl.u32 s2, $0x7  }
0x10d: {  	s2 =	smul.u32 $0xF0, s2;
	_ =	sdelay $0x1  }
0x10e: {  	s22 =	ssub.s32 s0, s2  }
0x10f: {  	s0 =	sshll.u32 s22, $0x7  }
0x110: {  	[tilespmem:s0+$0x108] =	vst v1  }
0x111: {  	v1 =	vld [tilespmem:s25+$0xFFFFFFD0];
	_ =	sdelay $0x4  }
0x112: {  	[tilespmem:s0+$0x118] =	vst v1  }
0x113: {  	v1 =	vld [tilespmem:s25+$0xFFFFFFE0];
	_ =	sdelay $0x4  }
0x114: {  	[tilespmem:s0+$0x128] =	vst v1  }
0x115: {  	v1 =	vld [tilespmem:s25+$0xFFFFFFF0];
	_ =	sdelay $0x4  }
0x116: {  	[tilespmem:s0+$0x138] =	vst v1  }
0x117: {  	v1 =	vld [tilespmem:s25+$0x0];
	_ =	sdelay $0x4  }
0x118: {  	[tilespmem:s0+$0x148] =	vst v1  }
0x119: {  	v1 =	vld [tilespmem:s25+$0x10];
	_ =	sdelay $0x4  }
0x11a: {  	[tilespmem:s0+$0x158] =	vst v1  }
0x11b: {  	v1 =	vld [tilespmem:s25+$0x20];
	_ =	sdelay $0x4  }
0x11c: {  	[tilespmem:s0+$0x168] =	vst v1  }
0x11d: {  	v1 =	vld [tilespmem:s25+$0x30]  }
.Ltmp15:
0x11e: {  	_ = 	snop;
	(pc) =	sbr.rel .LBB2_17-.Ltmp15, $2  }
0x11f: {  	_ =	sdelay $0x2  }
0x120: {  	s28 =	sadd.s32 $0x1, s28;
	[tilespmem:s0+$0x178] =	vst v1  }
.LBB2_19:
.Ltmp16:
0x121: {  	(pc) =	sbr.rel .LBB2_20-.Ltmp16, $4  }
0x122: {  	_ = 	snop  }
0x123: {  	s0 =	simm.s32 $0x2  }
0x124: {  	_ =	swait.ge [sflag:s0], $0x0  }
0x125: {  	s30 =	smov.u32 s29;
	[sflag:s0] =	ssyncset.done $0x0;
	s0 =	simm.s32 $0x0  }
.LBB2_22:
0x126: {  	_ =	sfence.sel $0x180000  }
0x127: {  	s0 =	simm.s32 $0x9;
	[bflag:$0x0] =	sbarrier.arrive $0xFFFF  }
0x128: {  	s24 =	simm.s32 $0xA;
	[sflag:s0] =	ssyncpa.u1 $0x1  }
0x129: {  	s25 =	simm.s32 $0xB;
	[sflag:s24] =	ssyncpa.u1 $0x1  }
0x12a: {  	s26 =	simm.s32 $0x2;
	[sflag:s25] =	ssyncpa.u1 $0x1  }
0x12b: {  	[sflag:s26] =	ssyncpa.u1 $0x1  }
0x12c: {  	v0 =	vld [tilespmem:$0xF208];
	_ =	sdelay $0x4  }
0x12d: {  	(v2sf) =	vpush v0, $0x0  }
0x12e: {  	(v2sf) =	vpush v0, $0x1;
	_ =	sdelay $0x1  }
0x12f: {  	(v2sf) =	vpush v0, $0x2;
	_ =	sdelay $0xb  }
0x130: {  	s0 =	spop (v2sf)  }
0x131: {  	s2 =	spop (v2sf)  }
0x132: {  	s3 =	smov.u32 s0;
	p0 =	sne.s32 s0, s2  }
0x133: {  	s4 =	spop (v2sf);
	s3 =	simm.s32 @!p0 $0xFFFFFFFF  }
0x134: {  	v2 =	vimm.s32 $0x1;
	v3 =	vlaneseq.u32;
	p0 =	seq.s32 s4, $0xFFFFFFFF;
	v1 =	vmov s3  }
0x135: {  	s16 =	stileid.u32;
	v0 =	vperm.xlane v0, v2;
	p1 =	sne.s32 @!p0 s0, s2;
	v1 =	vperm.xlane v1, v3  }
0x136: {  	vm0 =	vcmask $0x3F04;
	s6 =	simm.s32 $0xF208;
	s0 =	simm.s32 @!p0 $0x1;
	p1 =	por !p1, p0  }
0x137: {  	s3 =	sshll.u32 s16, $0x1;
	s2 =	sshll.u32 @!p0 s4, $0x9;
	s0 =	simm.s32 @p1 $0x0;
	v0 =	vsel vm0, v1, v0  }
0x138: {  	s5 =	sor.u32 $0x1000, s3;
	s2 =	sshra.s32 @!p0 s2, $0x2;
	s0 =	sor.u32 @!p0 s0, s3;
	[tilespmem:$0xF208] =	vst v0  }
0x139: {  	[spmem:s5] =	stream.linear.scatter [tilespmem:s6], [sflag:$0x1], $0x2, $0x38;
	[tilespmem:$0x1F6F8] =	vst v63  }
0x13a: {  	s2 =	sadd.s32 @!p0 $0x108, s2;
	s0 =	sshll.u32 @!p0 s0, $0x7  }
0x13b: {  	[spmem:s0] =	stream.linear.scatter @!p0 [tilespmem:s2], [sflag:$0x1], $0x80, $0x38;
	[tilespmem:$0x1F6F8] =	vst v63  }
0x13c: {  	s0 =	simm.s32 @!p0 $0x82  }
0x13d: {  	s28 =	simm.s32 $0x1;
	s0 =	simm.s32 @p0 $0x2  }
0x13e: {  	_ =	swait.ge [sflag:s28], s0  }
0x13f: {  	s0 =	ssub.s32 $0x0, s0;
	[sflag:s28] =	ssyncset.done $0x0  }
0x140: {  	p0 =	sne.s32 s16, $0x0;
	[sflag:s28] =	ssyncadd.s32 s0  }
.Ltmp17:
0x141: {  	_ =	sfence.stream.spmem;
	(pc) =	sbr.rel @p0 .LBB2_39-.Ltmp17, $4  }
0x142: {  	s29 =	simm.s32 $0x3;
	[bflag:$0x0] =	sbarrier.arrive $0xFFFF  }
0x143: {  	s30 =	simm.s32 $0x4;
	[sflag:s29] =	ssyncpa.u1 $0x1  }
0x144: {  	s31 =	simm.s32 $0x3C;
	[sflag:s30] =	ssyncpa.u1 $0x1  }
0x145: {  	s15 =	rddreg [dreg:$0x5];
	[sflag:s31] =	ssyncpa.u1 $0x1  }
0x146: {  	_ =	sfence.stream.spmem;
	s0 =	simm.s32 $0x5  }
0x147: {  	s2 =	simm.s32 $0x1000;
	s3 =	simm.s32 $0xF218;
	[sflag:s0] =	ssyncpa.u1 $0x0  }
0x148: {  	[tilespmem:s3], [sflag:$0x5] =	stream.linear.gather [spmem:s2], $0x20, $0x38;
	[tilespmem:$0x1F6F8] =	vst v63  }
0x149: {  	s26 =	simm.s32 $0x0;
	s28 =	simm.s32 $0xF238  }
0x14a: {  	[tilespmem:s28], [sflag:$0x5] =	stream.linear.gather [spmem:s26], $0x1000, $0x38;
	[tilespmem:$0x1F6F8] =	vst v63  }
0x14b: {  	_ =	swait.ge [sflag:s0], $0x1020  }
0x14c: {  	[sflag:s0] =	ssyncset.done $0x0  }
0x14d: {  	s29 =	simm.s32 $0x0;
	[sflag:s0] =	ssyncadd.s32 $0xFFFFEFE0  }
0x14e: {  	v0 =	vld.msk [tilespmem:s29+$0xF218], $0x1;
	_ =	sdelay $0x1  }
0x14f: {  	s30 =	simm.s32 $0x1  }
0x150: {  	v1 =	vld.msk [tilespmem:s30+$0xF218], $0x1;
	_ =	sdelay $0x1  }
0x151: {  	(v2sf) =	vpush v0, $0x0;
	_ =	sdelay $0x2  }
0x152: {  	(v2sf) =	vpush v1, $0x0;
	_ =	sdelay $0x2  }
0x153: {  	s31 =	simm.s32 $0x2  }
0x154: {  	v0 =	vld.msk [tilespmem:s31+$0xF218], $0x1;
	_ =	sdelay $0x2  }
0x155: {  	s4 =	simm.s32 $0xFFFFFFFF;
	s5 =	simm.s32 $0xFFFFFFFF;
	s0 =	simm.s32 $0xC  }
.LBB2_24:
0x156: {  	s2 =	smov.u32 s5;
	s3 =	smov.u32 s4  }
0x157: {  	s4 =	sshra.s32 s0, $0x2;
	p1 =	sne.s32 s0, $0x7C;
	s0 =	sadd.s32 $0x4, s0;
	(v2sf) =	vpush v0, $0x0  }
0x158: {  	v0 =	vld.msk [tilespmem:s4+$0xF218], $0x1  }
.Ltmp18:
0x159: {  	(pc) =	sbr.rel @p1 .LBB2_24-.Ltmp18, $4  }
0x15a: {  	s5 =	spop (v2sf)  }
0x15b: {  	p2 =	sne.s32 s3, $0xFFFFFFFF;
	s4 =	smov.u32 s5  }
0x15c: {  	p3 =	seq.s32 s5, $0xFFFFFFFF;
	s4 =	smov.u32 @p2 s3  }
0x15d: {  	s5 =	smov.u32 @p3 s2;
	s4 =	smov.u32 @p3 s3  }
0x15e: {  	(v2sf) =	vpush v0, $0x0;
	_ =	sdelay $0x8  }
0x15f: {  	s0 =	spop (v2sf)  }
0x160: {  	p1 =	sne.s32 s4, $0xFFFFFFFF;
	s2 =	smov.u32 s0  }
0x161: {  	s9 =	simm.s32 $0x6;
	p2 =	seq.s32 s0, $0xFFFFFFFF;
	s2 =	smov.u32 @p1 s4  }
0x162: {  	s6 =	simm.s32 $0x0;
	s2 =	smov.u32 @p2 s4;
	s3 =	spop (v2sf)  }
0x163: {  	s0 =	smov.u32 @p2 s5;
	p1 =	sne.s32 s2, $0xFFFFFFFF;
	s4 =	smov.u32 s3  }
.Ltmp19:
0x164: {  	p2 =	seq.s32 s3, $0xFFFFFFFF;
	s4 =	smov.u32 @p1 s2;
	(pc) =	sbr.rel .LBB2_26-.Ltmp19, $4  }
0x165: {  	s10 =	simm.s32 $0xF188;
	s4 =	smov.u32 @p2 s2;
	s7 =	spop (v2sf)  }
0x166: {  	s11 =	simm.s32 $0x0;
	p1 =	sne.s32 s4, $0xFFFFFFFF;
	s8 =	smov.u32 s7  }
0x167: {  	s3 =	smov.u32 @p2 s0;
	p2 =	seq.s32 s7, $0xFFFFFFFF;
	s8 =	smov.u32 @p1 s4  }
0x168: {  	[sflag:s9] =	ssyncpa.u1 $0x0;
	s7 =	smov.u32 @p2 s3;
	s8 =	smov.u32 @p2 s4  }
.LBB2_32:
0x169: {  	p1 =	sgt.u32 s12, $0x270F0  }
0x16a: {  	p2 =	seq.s32 @!p1 s12, s8  }
0x16b: {  	p1 =	por p1, p2  }
0x16c: {  	p2 =	sne.s32 @!p1 s12, s7  }
0x16d: {  	p1 =	por p1, !p2  }
0x16e: {  	s0 =	sshll.u32 @p1 s11, $0x9  }
0x16f: {  	s0 =	sand.u32 @!p1 $0x3FFF8, s12  }
0x170: {  	s2 =	sand.u32 @!p1 $0x7, s12;
	s0 =	sadd.s32 @!p1 s1, s0  }
0x171: {  	[tilespmem:s10], [sflag:$0x6] =	stream.linear.gather @!p1 [hbm4b:s0+s2], $0x80, $0x38;
	[tilespmem:$0x1F6F8] =	vst v63  }
0x172: {  	_ =	swait.ge @!p1 [sflag:s9], $0x80  }
0x173: {  	[sflag:s9] =	ssyncset.done @!p1 $0x0  }
0x174: {  	s0 =	sshll.u32 @!p1 s11, $0x9;
	[sflag:s9] =	ssyncadd.s32 @!p1 $0xFFFFFF80  }
0x175: {  	s2 =	sshrl.u32 @!p1 s0, $0x2;
	v1 =	vld @!p1 [tilespmem:$0xF188]  }
0x176: {  	v2 =	vld @!p1 [tilespmem:s2+$0xF238];
	_ =	sdelay $0x4  }
0x177: {  	v1 =	vmax.f32 @!p1 v1, v2  }
0x178: {  	v2 =	vld @!p1 [tilespmem:s2+$0xF248];
	[tilespmem:s2+$0xF238] =	vst @!p1 v1  }
0x179: {  	v1 =	vld @!p1 [tilespmem:$0xF198];
	_ =	sdelay $0x4  }
0x17a: {  	v1 =	vmax.f32 @!p1 v1, v2  }
0x17b: {  	v2 =	vld @!p1 [tilespmem:s2+$0xF258];
	[tilespmem:s2+$0xF248] =	vst @!p1 v1  }
0x17c: {  	v1 =	vld @!p1 [tilespmem:$0xF1A8];
	_ =	sdelay $0x4  }
0x17d: {  	v1 =	vmax.f32 @!p1 v1, v2  }
0x17e: {  	v2 =	vld @!p1 [tilespmem:s2+$0xF268];
	[tilespmem:s2+$0xF258] =	vst @!p1 v1  }
0x17f: {  	v1 =	vld @!p1 [tilespmem:$0xF1B8];
	_ =	sdelay $0x4  }
0x180: {  	v1 =	vmax.f32 @!p1 v1, v2  }
0x181: {  	v2 =	vld @!p1 [tilespmem:s2+$0xF278];
	[tilespmem:s2+$0xF268] =	vst @!p1 v1  }
0x182: {  	v1 =	vld @!p1 [tilespmem:$0xF1C8];
	_ =	sdelay $0x4  }
0x183: {  	v1 =	vmax.f32 @!p1 v1, v2  }
0x184: {  	v2 =	vld @!p1 [tilespmem:s2+$0xF288];
	[tilespmem:s2+$0xF278] =	vst @!p1 v1  }
0x185: {  	v1 =	vld @!p1 [tilespmem:$0xF1D8];
	_ =	sdelay $0x4  }
0x186: {  	v1 =	vmax.f32 @!p1 v1, v2  }
0x187: {  	v2 =	vld @!p1 [tilespmem:s2+$0xF298];
	[tilespmem:s2+$0xF288] =	vst @!p1 v1  }
0x188: {  	v1 =	vld @!p1 [tilespmem:$0xF1E8];
	_ =	sdelay $0x4  }
0x189: {  	v1 =	vmax.f32 @!p1 v1, v2  }
0x18a: {  	v2 =	vld @!p1 [tilespmem:s2+$0xF2A8];
	[tilespmem:s2+$0xF298] =	vst @!p1 v1  }
0x18b: {  	v1 =	vld @!p1 [tilespmem:$0xF1F8];
	_ =	sdelay $0x4  }
0x18c: {  	v1 =	vmax.f32 @!p1 v1, v2  }
0x18d: {  	[tilespmem:s2+$0xF2A8] =	vst @!p1 v1  }
0x18e: {  	s0 =	sshrl.u32 s0, $0x2;
	[tilespmem:s6+$0xF218] =	vst.msk $0x1, v0  }
0x18f: {  	v0 =	vld [tilespmem:s0+$0xF238];
	_ =	sdelay $0x2  }
0x190: {  	s31 =	sshll.u32 s6, $0x9  }
0x191: {  	s2 =	sshra.s32 s31, $0x2  }
0x192: {  	[tilespmem:s2+$0xF238] =	vst v0  }
0x193: {  	v0 =	vld [tilespmem:s0+$0xF248];
	_ =	sdelay $0x4  }
0x194: {  	[tilespmem:s2+$0xF248] =	vst v0  }
0x195: {  	v0 =	vld [tilespmem:s0+$0xF258];
	_ =	sdelay $0x4  }
0x196: {  	[tilespmem:s2+$0xF258] =	vst v0  }
0x197: {  	v0 =	vld [tilespmem:s0+$0xF268];
	_ =	sdelay $0x4  }
0x198: {  	[tilespmem:s2+$0xF268] =	vst v0  }
0x199: {  	v0 =	vld [tilespmem:s0+$0xF278];
	_ =	sdelay $0x4  }
0x19a: {  	[tilespmem:s2+$0xF278] =	vst v0  }
0x19b: {  	v0 =	vld [tilespmem:s0+$0xF288];
	_ =	sdelay $0x4  }
0x19c: {  	[tilespmem:s2+$0xF288] =	vst v0  }
0x19d: {  	v0 =	vld [tilespmem:s0+$0xF298];
	_ =	sdelay $0x4  }
0x19e: {  	[tilespmem:s2+$0xF298] =	vst v0  }
0x19f: {  	v0 =	vld [tilespmem:s0+$0xF2A8];
	_ =	sdelay $0x4  }
0x1a0: {  	s6 =	sadd.s32 $0x1, s6;
	[tilespmem:s2+$0xF2A8] =	vst v0  }
.LBB2_33:
0x1a1: {  	s11 =	sadd.s32 $0x1, s11  }
0x1a2: {  	p1 =	sne.s32 s11, $0x20  }
.Ltmp20:
0x1a3: {  	_ = 	snop;
	(pc) =	sbr.rel @!p1 .LBB2_34-.Ltmp20, $1  }
0x1a4: {  	_ =	sdelay $0x3  }
.LBB2_26:
0x1a5: {  	v0 =	vld.msk [tilespmem:s11+$0xF218], $0x1;
	_ =	sdelay $0x4  }
0x1a6: {  	(v2sf) =	vpush v0, $0x0;
	_ =	sdelay $0xe  }
0x1a7: {  	s12 =	spop (v2sf)  }
0x1a8: {  	p1 =	seq.s32 s12, $0xFFFFFFFF  }
.Ltmp21:
0x1a9: {  	_ = 	snop;
	(pc) =	sbr.rel @p1 .LBB2_33-.Ltmp21, $1  }
0x1aa: {  	_ =	sdelay $0x3  }
0x1ab: {  	p1 =	slt.s32 s6, $0x1  }
.Ltmp22:
0x1ac: {  	_ = 	snop;
	(pc) =	sbr.rel @p1 .LBB2_32-.Ltmp22, $1  }
0x1ad: {  	_ =	sdelay $0x3  }
0x1ae: {  	s13 =	simm.s32 $0xF218;
	p1 =	por $0x0, $0x0  }
0x1af: {  	v1 =	vld.msk @!p1 [tilespmem:s13+$0x0], $0x1;
	_ =	sdelay $0x4  }
0x1b0: {  	(v2sf) =	vpush @!p1 v1, $0x0;
	_ =	sdelay $0xd  }
0x1b1: {  	p3 =	sne.s32 s6, $0x1  }
.Ltmp23:
0x1b2: {  	s0 =	spop @!p1 (v2sf);
	(pc) =	sbr.rel @!p3 .LBB2_30-.Ltmp23, $4  }
0x1b3: {  	p2 =	seq.s32 @!p1 s12, s0  }
0x1b4: {  	s14 =	simm.s32 $0x0;
	p2 =	por !p2, p1  }
0x1b5: {  	s2 =	simm.s32 $0xFFFFFFFF;
	s14 =	simm.s32 @p2 $0xFFFFFFFF  }
0x1b6: {  	s0 =	simm.s32 $0x1;
	s14 =	smov.u32 @p1 s2  }
.LBB2_29:
0x1b7: {  	s2 =	smov.u32 s14;
	p1 =	sne.s32 s14, $0xFFFFFFFF  }
0x1b8: {  	s13 =	sadd.s32 $0x1, s13;
	s14 =	smov.u32 s0;
	s0 =	sadd.s32 $0x1, s0  }
0x1b9: {  	p2 =	sne.s32 s6, s0;
	v1 =	vld.msk @!p1 [tilespmem:s13+$0x0], $0x1;
	_ =	sdelay $0x4  }
0x1ba: {  	(v2sf) =	vpush @!p1 v1, $0x0;
	_ =	sdelay $0xe  }
.Ltmp24:
0x1bb: {  	s3 =	spop @!p1 (v2sf);
	(pc) =	sbr.rel @p2 .LBB2_29-.Ltmp24, $4  }
0x1bc: {  	p3 =	seq.s32 @!p1 s12, s3  }
0x1bd: {  	p3 =	por !p3, p1  }
0x1be: {  	s14 =	simm.s32 @p3 $0xFFFFFFFF  }
0x1bf: {  	s14 =	smov.u32 @p1 s2  }
.LBB2_30:
0x1c0: {  	p1 =	seq.s32 s14, $0xFFFFFFFF  }
.Ltmp25:
0x1c1: {  	_ = 	snop;
	(pc) =	sbr.rel @p1 .LBB2_32-.Ltmp25, $1  }
0x1c2: {  	_ =	sdelay $0x3  }
0x1c3: {  	s0 =	sshll.u32 s11, $0x7  }
0x1c4: {  	s2 =	sshll.u32 s14, $0x9;
	s0 =	sand.u32 $0x3FFFFF80, s0  }
0x1c5: {  	s2 =	sshra.s32 s2, $0x2;
	v0 =	vld [tilespmem:s0+$0xF238]  }
0x1c6: {  	v1 =	vld [tilespmem:s2+$0xF238];
	_ =	sdelay $0x4  }
0x1c7: {  	v0 =	vmax.f32 v0, v1  }
0x1c8: {  	v57 =	vld [tilespmem:s2+$0xF248];
	[tilespmem:s2+$0xF238] =	vst v0  }
0x1c9: {  	v0 =	vld [tilespmem:s0+$0xF248];
	_ =	sdelay $0x4  }
0x1ca: {  	v0 =	vmax.f32 v0, v57  }
0x1cb: {  	v58 =	vld [tilespmem:s2+$0xF258];
	[tilespmem:s2+$0xF248] =	vst v0  }
0x1cc: {  	v0 =	vld [tilespmem:s0+$0xF258];
	_ =	sdelay $0x4  }
0x1cd: {  	v0 =	vmax.f32 v0, v58  }
0x1ce: {  	v59 =	vld [tilespmem:s2+$0xF268];
	[tilespmem:s2+$0xF258] =	vst v0  }
0x1cf: {  	v0 =	vld [tilespmem:s0+$0xF268];
	_ =	sdelay $0x4  }
0x1d0: {  	v0 =	vmax.f32 v0, v59  }
0x1d1: {  	v60 =	vld [tilespmem:s2+$0xF278];
	[tilespmem:s2+$0xF268] =	vst v0  }
0x1d2: {  	v0 =	vld [tilespmem:s0+$0xF278];
	_ =	sdelay $0x4  }
0x1d3: {  	v0 =	vmax.f32 v0, v60  }
0x1d4: {  	v61 =	vld [tilespmem:s2+$0xF288];
	[tilespmem:s2+$0xF278] =	vst v0  }
0x1d5: {  	v0 =	vld [tilespmem:s0+$0xF288];
	_ =	sdelay $0x4  }
0x1d6: {  	v0 =	vmax.f32 v0, v61  }
0x1d7: {  	v62 =	vld [tilespmem:s2+$0xF298];
	[tilespmem:s2+$0xF288] =	vst v0  }
0x1d8: {  	v0 =	vld [tilespmem:s0+$0xF298];
	_ =	sdelay $0x4  }
0x1d9: {  	v0 =	vmax.f32 v0, v62  }
0x1da: {  	v63 =	vld [tilespmem:s2+$0xF2A8];
	[tilespmem:s2+$0xF298] =	vst v0  }
0x1db: {  	v0 =	vld [tilespmem:s0+$0xF2A8];
	_ =	sdelay $0x1  }
.Ltmp26:
0x1dc: {  	_ = 	snop;
	(pc) =	sbr.rel .LBB2_33-.Ltmp26, $3  }
0x1dd: {  	_ =	sdelay $0x1  }
0x1de: {  	v0 =	vmax.f32 v0, v63  }
0x1df: {  	[tilespmem:s2+$0xF2A8] =	vst v0  }
.LBB2_34:
0x1e0: {  	s0 =	simm.s32 $0x6;
	p1 =	seq.s32 s6, $0x0  }
0x1e1: {  	[sflag:s0] =	ssyncpa.u1 $0x1;
	v0 =	vimm.s32 @p1 $0xFFFFFFFF  }
0x1e2: {  	s9 =	sadd.s32 $0xFFFFFFFF, s6;
	[tilespmem:$0x10238] =	vst @p1 v0  }
0x1e3: {  	v0 =	vld.msk @!p1 [tilespmem:s9+$0xF218], $0x1;
	_ =	sdelay $0x1  }
0x1e4: {  	v1 =	vld.msk @!p1 [tilespmem:$0xF218], $0x1;
	_ =	sdelay $0x2  }
0x1e5: {  	p2 =	seq.s32 @!p1 s9, $0x0;
	v0 =	vbroadcast @!p1 v0, $0x0  }
0x1e6: {  	vm0 =	vmmov @!p1 $0x1;
	p2 =	por !p2, p1  }
0x1e7: {  	v1 =	vnsel @!p1 vm0, $0xFFFFFFFF, v1;
	vm0 =	vcmask @!p1 $0x308;
	v0 =	vpsel !p2, $0xFFFFFFFF, v0  }
0x1e8: {  	p2 =	sne.s32 @!p1 s8, s7;
	v0 =	vsel @!p1 vm0, v1, v0  }
0x1e9: {  	s0 =	simm.s32 @!p1 $0xF238;
	s2 =	simm.s32 @!p1 $0x0;
	p3 =	por !p2, p1;
	[tilespmem:$0x10238] =	vst @!p1 v0  }
0x1ea: {  	[spmem:s2] =	stream.linear.scatter @!p1 [tilespmem:s0], [sflag:$0x1], $0x80, $0x38;
	[tilespmem:$0x1F6F8] =	vst v63  }
0x1eb: {  	s0 =	sshll.u32 @!p3 s9, $0x9  }
0x1ec: {  	s0 =	sshra.s32 @!p3 s0, $0x2  }
0x1ed: {  	s2 =	simm.s32 @!p3 $0x80;
	s0 =	sadd.s32 @!p3 $0xF238, s0  }
0x1ee: {  	[spmem:s2] =	stream.linear.scatter @!p3 [tilespmem:s0], [sflag:$0x1], $0x80, $0x38;
	[tilespmem:$0x1F6F8] =	vst v63  }
0x1ef: {  	s0 =	simm.s32 @!p3 $0x1  }
0x1f0: {  	_ =	swait.ge @!p3 [sflag:s0], $0x100  }
0x1f1: {  	p1 =	por p2, p1;
	[sflag:s0] =	ssyncset.done @!p3 $0x0  }
0x1f2: {  	[sflag:s0] =	ssyncadd.s32 @!p3 $0xFFFFFF00;
	s0 =	simm.s32 @!p1 $0x1  }
0x1f3: {  	_ =	swait.ge @!p1 [sflag:s0], $0x80  }
0x1f4: {  	s29 =	simm.s32 $0x10238;
	[sflag:s0] =	ssyncset.done @!p1 $0x0  }
0x1f5: {  	s30 =	simm.s32 $0x1000;
	s31 =	simm.s32 $0x1;
	[sflag:s0] =	ssyncadd.s32 @!p1 $0xFFFFFF80  }
0x1f6: {  	[spmem:s30] =	stream.linear.scatter [tilespmem:s29], [sflag:$0x1], $0x10, $0x38;
	[tilespmem:$0x1F6F8] =	vst v63  }
0x1f7: {  	_ =	swait.ge [sflag:s31], $0x10  }
0x1f8: {  	[sflag:s31] =	ssyncset.done $0x0  }
0x1f9: {  	p1 =	seq.s32 s15, $0x0;
	s8 =	rddreg [dreg:$0x2];
	[sflag:s31] =	ssyncadd.s32 $0xFFFFFFF0  }
0x1fa: {  	s2 =	sshll.u32 @p1 s8, $0xE;
	s7 =	rddreg [dreg:$0x3]  }
0x1fb: {  	s0 =	sadd.s32 @p1 $0x15C3C, s2;
	s2 =	sshll.u32 @p1 s7, $0x11  }
0x1fc: {  	_ =	sfence.stream.spmem;
	s0 =	sor.u32 @p1 s2, s0  }
0x1fd: {  	[sflag:s0] =	ssyncadd.remote.s32 @p1 $0x1;
	s0 =	simm.s32 @p1 $0x4  }
0x1fe: {  	s3 =	simm.s32 @!p1 $0x3C;
	s2 =	sand.u32 $0xFFFFFFFE, s8;
	_ =	swait.ge @p1 [sflag:s0], $0x22  }
0x1ff: {  	s4 =	simm.s32 @!p1 $0x0;
	s2 =	sadd.s32 @!p1 $0x4, s2;
	[sflag:s0] =	ssyncset.done @p1 $0x0  }
0x200: {  	s5 =	simm.s32 @!p1 $0x100;
	[sflag:s0] =	ssyncadd.s32 @p1 $0xFFFFFFDE;
	s0 =	sshll.u32 @!p1 s2, $0x1A  }
0x201: {  	s2 =	sshll.u32 @!p1 s2, $0xD;
	s0 =	sor.u32 @!p1 s0, s7;
	_ =	swait.eq @!p1 [sflag:s3], $0x1  }
0x202: {  	s2 =	sor.u32 @!p1 $0x1C04, s2;
	s3 =	simm.s32 @!p1 $0x1C03;
	s0 =	sor.u32 @!p1 $0x80004000, s0  }
0x203: {  	[spmem:s5], [sflag:s2] =	dma.general @!p1 [spmem:s4], [sflag:s3], length:$0x20, [dreg:$0x0], stride_count:$0x0, ici_dest:s0, dma_misc:DstOpCode:WRITE  }
0x204: {  	p2 =	slt.s32 s9, $0x2;
	s4 =	simm.s32 @!p1 $0x200;
	s5 =	simm.s32 @!p1 $0x202  }
0x205: {  	[spmem:s5], [sflag:s2] =	dma.general @!p1 [spmem:s4], [sflag:s3], length:$0x2, [dreg:$0x0], stride_count:$0x0, ici_dest:s0, dma_misc:DstOpCode:WRITE  }
.Ltmp27:
0x206: {  	s0 =	simm.s32 @!p1 $0x3;
	(pc) =	sbr.rel @p2 .LBB2_38-.Ltmp27, $4  }
0x207: {  	s2 =	sshll.u32 @!p1 s8, $0xE;
	_ =	swait.ge @!p1 [sflag:s0], $0x22  }
0x208: {  	s3 =	sshll.u32 @!p1 s7, $0x11;
	s2 =	sadd.s32 @!p1 $0x11C3C, s2;
	[sflag:s0] =	ssyncset.done @!p1 $0x0  }
0x209: {  	[sflag:s0] =	ssyncadd.s32 @!p1 $0xFFFFFFDE;
	s0 =	sor.u32 @!p1 s3, s2  }
0x20a: {  	[sflag:s0] =	ssyncadd.remote.s32 @!p1 $0xFFFFFFFF;
	s0 =	simm.s32 $0x0  }
0x20b: {  	s0 =	simm.s32 $0xF219  }
0x20c: {  	v0 =	vld.msk [tilespmem:s0+$0x0], $0x1;
	_ =	sdelay $0x4  }
0x20d: {  	(v2sf) =	vpush v0, $0x0;
	_ =	sdelay $0xb  }
0x20e: {  	s31 =	sadd.s32 $0xFFFFFFFE, s6  }
0x20f: {  	s0 =	sadd.s32 $0xFFFFFFFF, s31  }
0x210: {  	p2 =	sne.s32 s0, $0x0  }
.Ltmp28:
0x211: {  	s2 =	spop (v2sf);
	(pc) =	sbr.rel @!p2 .LBB2_37-.Ltmp28, $4  }
0x212: {  	s4 =	simm.s32 $0xF2B8;
	s7 =	simm.s32 $0x0;
	p1 =	sgt.u32 s2, $0x270F0  }
0x213: {  	s5 =	simm.s32 $0x0;
	s6 =	simm.s32 $0xF21A;
	s3 =	sand.u32 @!p1 $0x3FFF8, s2  }
0x214: {  	s2 =	sand.u32 @!p1 $0x7, s2;
	s7 =	simm.s32 @!p1 $0x200;
	s3 =	sadd.s32 @!p1 s1, s3  }
0x215: {  	[hbm4b:s3+s2] =	stream.linear.scatter @!p1 [tilespmem:s4], [sflag:$0x5], $0x80, $0x38;
	[tilespmem:$0x1F6F8] =	vst v63  }
.LBB2_36:
0x216: {  	v0 =	vld.msk [tilespmem:s6+$0x0], $0x1;
	s0 =	sadd.s32 $0xFFFFFFFF, s0;
	s5 =	sadd.s32 s5, s7  }
0x217: {  	p1 =	sne.s32 s0, $0x0;
	_ =	sdelay $0x3  }
0x218: {  	(v2sf) =	vpush v0, $0x0;
	_ =	sdelay $0xe  }
.Ltmp29:
0x219: {  	s2 =	spop (v2sf);
	(pc) =	sbr.rel @p1 .LBB2_36-.Ltmp29, $4  }
0x21a: {  	s7 =	simm.s32 $0x0;
	p2 =	sgt.u32 s2, $0x270F0  }
0x21b: {  	s4 =	sadd.s32 $0x80, s4;
	s7 =	simm.s32 @!p2 $0x200;
	s3 =	sand.u32 @!p2 $0x3FFF8, s2  }
0x21c: {  	s6 =	sadd.s32 $0x1, s6;
	s2 =	sand.u32 @!p2 $0x7, s2;
	s3 =	sadd.s32 @!p2 s1, s3  }
0x21d: {  	[hbm4b:s3+s2] =	stream.linear.scatter @!p2 [tilespmem:s4], [sflag:$0x5], $0x80, $0x38;
	[tilespmem:$0x1F6F8] =	vst v63  }
.LBB2_37:
0x21e: {  	s0 =	sadd.s32 s5, s7  }
0x21f: {  	s0 =	sshrl.u32 s0, $0x2  }
.LBB2_38:
0x220: {  	s2 =	simm.s32 $0x5  }
0x221: {  	_ =	swait.ge [sflag:s2], s0  }
0x222: {  	s31 =	ssub.s32 $0x0, s0;
	[sflag:s2] =	ssyncset.done $0x0  }
0x223: {  	[sflag:s2] =	ssyncadd.s32 s31  }
0x224: {  	[sflag:s2] =	ssyncpa.u1 $0x1  }
.LBB2_39:
0x225: {  	s0 =	sor.u32 s15, s16  }
0x226: {  	p1 =	sne.s32 s0, $0x0  }
.Ltmp30:
0x227: {  	_ = 	snop;
	(pc) =	sbr.rel @p1 .LBB2_54-.Ltmp30, $3  }
0x228: {  	_ =	sdelay $0x1  }
0x229: {  	[bflag:$0x0] =	sbarrier.arrive $0xFFFF  }
0x22a: {  	_ =	sfence  }
0x22b: {  	s0 =	simm.s32 $0x7  }
0x22c: {  	s2 =	simm.s32 $0x1000;
	s3 =	simm.s32 $0xF218;
	[sflag:s0] =	ssyncpa.u1 $0x0  }
0x22d: {  	[tilespmem:s3], [sflag:$0x7] =	stream.linear.gather [spmem:s2], $0x20, $0x38;
	[tilespmem:$0x1F6F8] =	vst v63  }
0x22e: {  	s30 =	simm.s32 $0xF238;
	s2 =	simm.s32 $0x0  }
0x22f: {  	[tilespmem:s30], [sflag:$0x7] =	stream.linear.gather [spmem:s2], $0x1000, $0x38;
	[tilespmem:$0x1F6F8] =	vst v63  }
.Ltmp31:
0x230: {  	_ = 	snop;
	(pc) =	sbr.rel .LBB2_41-.Ltmp31, $4  }
0x231: {  	_ =	swait.ge [sflag:s0], $0x1020  }
0x232: {  	[sflag:s0] =	ssyncset.done $0x0  }
0x233: {  	s31 =	simm.s32 $0x8;
	[sflag:s0] =	ssyncadd.s32 $0xFFFFEFE0  }
0x234: {  	s3 =	simm.s32 $0x0;
	[sflag:s31] =	ssyncpa.u1 $0x0  }
.LBB2_47:
0x235: {  	p1 =	slt.u32 s4, $0x270F1  }
0x236: {  	s0 =	sand.u32 @p1 $0x3FFF8, s4  }
0x237: {  	s4 =	sand.u32 @p1 $0x7, s4;
	s5 =	simm.s32 @p1 $0xF188;
	s0 =	sadd.s32 @p1 s1, s0  }
0x238: {  	[tilespmem:s5], [sflag:$0x8] =	stream.linear.gather @p1 [hbm4b:s0+s4], $0x80, $0x38;
	[tilespmem:$0x1F6F8] =	vst v63  }
0x239: {  	s0 =	simm.s32 @p1 $0x8  }
0x23a: {  	_ =	swait.ge @p1 [sflag:s0], $0x80  }
0x23b: {  	[sflag:s0] =	ssyncset.done @p1 $0x0  }
0x23c: {  	[sflag:s0] =	ssyncadd.s32 @p1 $0xFFFFFF80;
	s0 =	sshll.u32 @p1 s3, $0x9  }
0x23d: {  	s4 =	sshrl.u32 @p1 s0, $0x2;
	v1 =	vld @p1 [tilespmem:$0xF188]  }
0x23e: {  	v2 =	vld @p1 [tilespmem:s4+$0xF238];
	_ =	sdelay $0x4  }
0x23f: {  	v1 =	vmax.f32 @p1 v1, v2  }
0x240: {  	v2 =	vld @p1 [tilespmem:s4+$0xF248];
	[tilespmem:s4+$0xF238] =	vst @p1 v1  }
0x241: {  	v1 =	vld @p1 [tilespmem:$0xF198];
	_ =	sdelay $0x4  }
0x242: {  	v1 =	vmax.f32 @p1 v1, v2  }
0x243: {  	v2 =	vld @p1 [tilespmem:s4+$0xF258];
	[tilespmem:s4+$0xF248] =	vst @p1 v1  }
0x244: {  	v1 =	vld @p1 [tilespmem:$0xF1A8];
	_ =	sdelay $0x4  }
0x245: {  	v1 =	vmax.f32 @p1 v1, v2  }
0x246: {  	v2 =	vld @p1 [tilespmem:s4+$0xF268];
	[tilespmem:s4+$0xF258] =	vst @p1 v1  }
0x247: {  	v1 =	vld @p1 [tilespmem:$0xF1B8];
	_ =	sdelay $0x4  }
0x248: {  	v1 =	vmax.f32 @p1 v1, v2  }
0x249: {  	v2 =	vld @p1 [tilespmem:s4+$0xF278];
	[tilespmem:s4+$0xF268] =	vst @p1 v1  }
0x24a: {  	v1 =	vld @p1 [tilespmem:$0xF1C8];
	_ =	sdelay $0x4  }
0x24b: {  	v1 =	vmax.f32 @p1 v1, v2  }
0x24c: {  	v2 =	vld @p1 [tilespmem:s4+$0xF288];
	[tilespmem:s4+$0xF278] =	vst @p1 v1  }
0x24d: {  	v1 =	vld @p1 [tilespmem:$0xF1D8];
	_ =	sdelay $0x4  }
0x24e: {  	v1 =	vmax.f32 @p1 v1, v2  }
0x24f: {  	v2 =	vld @p1 [tilespmem:s4+$0xF298];
	[tilespmem:s4+$0xF288] =	vst @p1 v1  }
0x250: {  	v1 =	vld @p1 [tilespmem:$0xF1E8];
	_ =	sdelay $0x4  }
0x251: {  	v1 =	vmax.f32 @p1 v1, v2  }
0x252: {  	v2 =	vld @p1 [tilespmem:s4+$0xF2A8];
	[tilespmem:s4+$0xF298] =	vst @p1 v1  }
0x253: {  	v1 =	vld @p1 [tilespmem:$0xF1F8];
	_ =	sdelay $0x4  }
0x254: {  	s5 =	sshll.u32 @!p1 s3, $0x9;
	v1 =	vmax.f32 @p1 v1, v2  }
0x255: {  	s5 =	smov.u32 @p1 s0;
	[tilespmem:s4+$0xF2A8] =	vst @p1 v1  }
0x256: {  	s0 =	sshrl.u32 s5, $0x2;
	[tilespmem:s2+$0xF218] =	vst.msk $0x1, v0  }
0x257: {  	v0 =	vld [tilespmem:s0+$0xF238];
	_ =	sdelay $0x2  }
0x258: {  	s31 =	sshll.u32 s2, $0x9  }
0x259: {  	s4 =	sshra.s32 s31, $0x2  }
0x25a: {  	[tilespmem:s4+$0xF238] =	vst v0  }
0x25b: {  	v0 =	vld [tilespmem:s0+$0xF248];
	_ =	sdelay $0x4  }
0x25c: {  	[tilespmem:s4+$0xF248] =	vst v0  }
0x25d: {  	v0 =	vld [tilespmem:s0+$0xF258];
	_ =	sdelay $0x4  }
0x25e: {  	[tilespmem:s4+$0xF258] =	vst v0  }
0x25f: {  	v0 =	vld [tilespmem:s0+$0xF268];
	_ =	sdelay $0x4  }
0x260: {  	[tilespmem:s4+$0xF268] =	vst v0  }
0x261: {  	v0 =	vld [tilespmem:s0+$0xF278];
	_ =	sdelay $0x4  }
0x262: {  	[tilespmem:s4+$0xF278] =	vst v0  }
0x263: {  	v0 =	vld [tilespmem:s0+$0xF288];
	_ =	sdelay $0x4  }
0x264: {  	[tilespmem:s4+$0xF288] =	vst v0  }
0x265: {  	v0 =	vld [tilespmem:s0+$0xF298];
	_ =	sdelay $0x4  }
0x266: {  	[tilespmem:s4+$0xF298] =	vst v0  }
0x267: {  	v0 =	vld [tilespmem:s0+$0xF2A8];
	_ =	sdelay $0x4  }
0x268: {  	s2 =	sadd.s32 $0x1, s2;
	[tilespmem:s4+$0xF2A8] =	vst v0  }
.LBB2_48:
0x269: {  	s3 =	sadd.s32 $0x1, s3  }
0x26a: {  	p1 =	sne.s32 s3, $0x20  }
.Ltmp32:
0x26b: {  	_ = 	snop;
	(pc) =	sbr.rel @!p1 .LBB2_49-.Ltmp32, $1  }
0x26c: {  	_ =	sdelay $0x3  }
.LBB2_41:
0x26d: {  	v0 =	vld.msk [tilespmem:s3+$0xF218], $0x1;
	_ =	sdelay $0x4  }
0x26e: {  	(v2sf) =	vpush v0, $0x0;
	_ =	sdelay $0xe  }
0x26f: {  	s4 =	spop (v2sf)  }
0x270: {  	p1 =	seq.s32 s4, $0xFFFFFFFF  }
.Ltmp33:
0x271: {  	_ = 	snop;
	(pc) =	sbr.rel @p1 .LBB2_48-.Ltmp33, $1  }
0x272: {  	_ =	sdelay $0x3  }
0x273: {  	p1 =	slt.s32 s2, $0x1  }
.Ltmp34:
0x274: {  	_ = 	snop;
	(pc) =	sbr.rel @p1 .LBB2_47-.Ltmp34, $1  }
0x275: {  	_ =	sdelay $0x3  }
0x276: {  	s5 =	simm.s32 $0xF218;
	p1 =	por $0x0, $0x0  }
0x277: {  	v1 =	vld.msk @!p1 [tilespmem:s5+$0x0], $0x1;
	_ =	sdelay $0x4  }
0x278: {  	(v2sf) =	vpush @!p1 v1, $0x0;
	_ =	sdelay $0xd  }
0x279: {  	p3 =	sne.s32 s2, $0x1  }
.Ltmp35:
0x27a: {  	s0 =	spop @!p1 (v2sf);
	(pc) =	sbr.rel @!p3 .LBB2_45-.Ltmp35, $4  }
0x27b: {  	p2 =	seq.s32 @!p1 s4, s0  }
0x27c: {  	s6 =	simm.s32 $0x0;
	p2 =	por !p2, p1  }
0x27d: {  	s7 =	simm.s32 $0xFFFFFFFF;
	s6 =	simm.s32 @p2 $0xFFFFFFFF  }
0x27e: {  	s0 =	simm.s32 $0x1;
	s6 =	smov.u32 @p1 s7  }
.LBB2_44:
0x27f: {  	s7 =	smov.u32 s6;
	p1 =	sne.s32 s6, $0xFFFFFFFF  }
0x280: {  	s5 =	sadd.s32 $0x1, s5;
	s6 =	smov.u32 s0;
	s0 =	sadd.s32 $0x1, s0  }
0x281: {  	p2 =	sne.s32 s2, s0;
	v1 =	vld.msk @!p1 [tilespmem:s5+$0x0], $0x1;
	_ =	sdelay $0x4  }
0x282: {  	(v2sf) =	vpush @!p1 v1, $0x0;
	_ =	sdelay $0xe  }
.Ltmp36:
0x283: {  	s8 =	spop @!p1 (v2sf);
	(pc) =	sbr.rel @p2 .LBB2_44-.Ltmp36, $4  }
0x284: {  	p3 =	seq.s32 @!p1 s4, s8  }
0x285: {  	p3 =	por !p3, p1  }
0x286: {  	s6 =	simm.s32 @p3 $0xFFFFFFFF  }
0x287: {  	s6 =	smov.u32 @p1 s7  }
.LBB2_45:
0x288: {  	p1 =	seq.s32 s6, $0xFFFFFFFF  }
.Ltmp37:
0x289: {  	_ = 	snop;
	(pc) =	sbr.rel @p1 .LBB2_47-.Ltmp37, $1  }
0x28a: {  	_ =	sdelay $0x3  }
0x28b: {  	s0 =	sshll.u32 s3, $0x7  }
0x28c: {  	s4 =	sshll.u32 s6, $0x9;
	s0 =	sand.u32 $0x3FFFFF80, s0  }
0x28d: {  	s4 =	sshra.s32 s4, $0x2;
	v0 =	vld [tilespmem:s0+$0xF238]  }
0x28e: {  	v1 =	vld [tilespmem:s4+$0xF238];
	_ =	sdelay $0x4  }
0x28f: {  	v0 =	vmax.f32 v0, v1  }
0x290: {  	v57 =	vld [tilespmem:s4+$0xF248];
	[tilespmem:s4+$0xF238] =	vst v0  }
0x291: {  	v0 =	vld [tilespmem:s0+$0xF248];
	_ =	sdelay $0x4  }
0x292: {  	v0 =	vmax.f32 v0, v57  }
0x293: {  	v58 =	vld [tilespmem:s4+$0xF258];
	[tilespmem:s4+$0xF248] =	vst v0  }
0x294: {  	v0 =	vld [tilespmem:s0+$0xF258];
	_ =	sdelay $0x4  }
0x295: {  	v0 =	vmax.f32 v0, v58  }
0x296: {  	v59 =	vld [tilespmem:s4+$0xF268];
	[tilespmem:s4+$0xF258] =	vst v0  }
0x297: {  	v0 =	vld [tilespmem:s0+$0xF268];
	_ =	sdelay $0x4  }
0x298: {  	v0 =	vmax.f32 v0, v59  }
0x299: {  	v60 =	vld [tilespmem:s4+$0xF278];
	[tilespmem:s4+$0xF268] =	vst v0  }
0x29a: {  	v0 =	vld [tilespmem:s0+$0xF278];
	_ =	sdelay $0x4  }
0x29b: {  	v0 =	vmax.f32 v0, v60  }
0x29c: {  	v61 =	vld [tilespmem:s4+$0xF288];
	[tilespmem:s4+$0xF278] =	vst v0  }
0x29d: {  	v0 =	vld [tilespmem:s0+$0xF288];
	_ =	sdelay $0x4  }
0x29e: {  	v0 =	vmax.f32 v0, v61  }
0x29f: {  	v62 =	vld [tilespmem:s4+$0xF298];
	[tilespmem:s4+$0xF288] =	vst v0  }
0x2a0: {  	v0 =	vld [tilespmem:s0+$0xF298];
	_ =	sdelay $0x4  }
0x2a1: {  	v0 =	vmax.f32 v0, v62  }
0x2a2: {  	v63 =	vld [tilespmem:s4+$0xF2A8];
	[tilespmem:s4+$0xF298] =	vst v0  }
0x2a3: {  	v0 =	vld [tilespmem:s0+$0xF2A8];
	_ =	sdelay $0x1  }
.Ltmp38:
0x2a4: {  	_ = 	snop;
	(pc) =	sbr.rel .LBB2_48-.Ltmp38, $3  }
0x2a5: {  	_ =	sdelay $0x1  }
0x2a6: {  	v0 =	vmax.f32 v0, v63  }
0x2a7: {  	[tilespmem:s4+$0xF2A8] =	vst v0  }
.LBB2_49:
0x2a8: {  	p1 =	slt.s32 s2, $0x1  }
.Ltmp39:
0x2a9: {  	_ = 	snop;
	(pc) =	sbr.rel @p1 .LBB2_53-.Ltmp39, $3  }
0x2aa: {  	_ =	sdelay $0x1  }
0x2ab: {  	s0 =	simm.s32 $0x8  }
0x2ac: {  	s3 =	simm.s32 $0x0;
	[sflag:s0] =	ssyncpa.u1 $0x1  }
0x2ad: {  	s0 =	simm.s32 $0xF218  }
0x2ae: {  	v0 =	vld.msk [tilespmem:s0+$0x0], $0x1;
	_ =	sdelay $0x4  }
0x2af: {  	(v2sf) =	vpush v0, $0x0;
	_ =	sdelay $0xe  }
0x2b0: {  	s0 =	sadd.s32 $0xFFFFFFFF, s2;
	s5 =	spop (v2sf)  }
0x2b1: {  	p2 =	sne.s32 s0, $0x0;
	p1 =	sgt.u32 s5, $0x270F0  }
.Ltmp40:
0x2b2: {  	s6 =	sand.u32 @!p1 $0x3FFF8, s5;
	(pc) =	sbr.rel @!p2 .LBB2_52-.Ltmp40, $4  }
0x2b3: {  	s4 =	simm.s32 $0xF238;
	s5 =	sand.u32 @!p1 $0x7, s5;
	s2 =	sadd.s32 @!p1 s1, s6  }
0x2b4: {  	[hbm4b:s2+s5] =	stream.linear.scatter @!p1 [tilespmem:s4], [sflag:$0x7], $0x80, $0x38;
	[tilespmem:$0x1F6F8] =	vst v63  }
0x2b5: {  	s5 =	simm.s32 $0x0  }
0x2b6: {  	s2 =	simm.s32 $0xF219;
	s5 =	simm.s32 @!p1 $0x200  }
.LBB2_51:
0x2b7: {  	v0 =	vld.msk [tilespmem:s2+$0x0], $0x1;
	s0 =	sadd.s32 $0xFFFFFFFF, s0;
	s3 =	sadd.s32 s3, s5  }
0x2b8: {  	p1 =	sne.s32 s0, $0x0;
	_ =	sdelay $0x3  }
0x2b9: {  	(v2sf) =	vpush v0, $0x0;
	_ =	sdelay $0xe  }
.Ltmp41:
0x2ba: {  	s6 =	spop (v2sf);
	(pc) =	sbr.rel @p1 .LBB2_51-.Ltmp41, $4  }
0x2bb: {  	s5 =	simm.s32 $0x0;
	p2 =	sgt.u32 s6, $0x270F0  }
0x2bc: {  	s4 =	sadd.s32 $0x80, s4;
	s5 =	simm.s32 @!p2 $0x200;
	s7 =	sand.u32 @!p2 $0x3FFF8, s6  }
0x2bd: {  	s2 =	sadd.s32 $0x1, s2;
	s6 =	sand.u32 @!p2 $0x7, s6;
	s7 =	sadd.s32 @!p2 s1, s7  }
0x2be: {  	[hbm4b:s7+s6] =	stream.linear.scatter @!p2 [tilespmem:s4], [sflag:$0x7], $0x80, $0x38;
	[tilespmem:$0x1F6F8] =	vst v63  }
.LBB2_52:
0x2bf: {  	s0 =	sadd.s32 s3, s5  }
0x2c0: {  	s3 =	sshrl.u32 s0, $0x2  }
.LBB2_53:
0x2c1: {  	s0 =	simm.s32 $0x7  }
0x2c2: {  	_ =	swait.ge [sflag:s0], s3  }
0x2c3: {  	s1 =	ssub.s32 $0x0, s3;
	[sflag:s0] =	ssyncset.done $0x0  }
0x2c4: {  	[sflag:s0] =	ssyncadd.s32 s1  }
0x2c5: {  	[sflag:s0] =	ssyncpa.u1 $0x1  }
.LBB2_54:
0x2c6: {  	_ =	sfence;
	s0 =	simm.s32 $0x1  }
0x2c7: {  	[sflag:s0] =	ssyncpa.u1 $0x1  }
0x2c8: {  	_ =	strace $0x90000047  }
0x2c9: {  	[bflag:$0x2] =	sbarrier.arrive $0xFFFF  }
0x2ca: {  	s0 =	rddreg [dreg:$0x4]  }
0x2cb: {  	s0 =	sadd.s32 @!p0 $0x100000, s0  }
0x2cc: {  	[sflag:s0] =	ssyncadd.tile.s32 @!p0 $0x1;
	_ =	shalt  }
.Lfunc_end2:
_tile_overlayer_lowered:
.L_overlay_start_2:
0x2cd: {  	(tag) =	ssettag $0x2  }
0x2ce: {  	s0 =	rddreg [dreg:$0x0];
	s2 =	stileid.u32  }
0x2cf: {  	s1 =	rddreg [dreg:$0x1];
	p0 =	sne.s32 s2, $0x0  }
0x2d0: {  	s3 =	rddreg [dreg:$0x2];
	[bflag:$0x3] =	sbarrier.arrive $0xFFFF;
	s2 =	simm.s32 @!p0 $0x1C01  }
0x2d1: {  	[timem:s3], [sflag:s2] =	dma.local @!p0 [hbm:s0], s1  }
0x2d2: {  	s0 =	simm.s32 @!p0 $0x1  }
0x2d3: {  	_ =	swait.ge @!p0 [sflag:s0], s1  }
0x2d4: {  	s1 =	ssub.s32 @!p0 $0x0, s1;
	[sflag:s0] =	ssyncset.done @!p0 $0x0  }
0x2d5: {  	[sflag:s0] =	ssyncadd.s32 @!p0 s1  }
0x2d6: {  	[bflag:$0x3] =	sbarrier.arrive $0xFFFF  }
0x2d7: {  	_ =	shalt  }

</sc_bundles>
